<compile_context>
chip_gen: v7x
topology: tpu7x:2x2x1
jax: 0.10.2.dev20260603
libtpu: 0.0.44.dev20260713+nightly
codegen_flags: <defaults>
</compile_context>

<pallas_src>
import functools

import jax
import jax.numpy as jnp
from jax import lax
from jax.experimental import pallas as pl
from jax.experimental.pallas import tpu as pltpu
from jax.experimental.pallas import tpu_sc as plsc

N = 10000
D = 128
E = 320000
NP = 10240
NC, NS = 2, 16
NW = NC * NS
CHUNK = 128
RC0 = 100
RC1 = 57
STRIDE = RC0
EP = NW * STRIDE * CHUNK
ROWS_PER_SUB = NP // NS

_MESH = plsc.VectorSubcoreMesh(core_axis_name="c", subcore_axis_name="s")



@functools.partial(
    pl.kernel,
    out_type=jax.ShapeDtypeStruct((NC * NP, D), jnp.float32),
    mesh=_MESH,
    scratch_types=[
        pltpu.VMEM((STRIDE, CHUNK), jnp.int32),
        pltpu.VMEM((STRIDE, CHUNK), jnp.int32),
        pltpu.VMEM((CHUNK, D), jnp.float32),
        pltpu.VMEM_SHARED((NP, D), jnp.float32),
        pltpu.SemaphoreType.DMA,
    ],
)
def _sc_agg(hs_hbm, src_hbm, dst_hbm, zeros_hbm, out_hbm,
            src_v, dst_v, rows_v, agg_sh, sem):
    cid = lax.axis_index("c")
    sid = lax.axis_index("s")
    wid = cid * NS + sid
    pltpu.sync_copy(zeros_hbm.at[pl.ds(sid * ROWS_PER_SUB, ROWS_PER_SUB)],
                    agg_sh.at[pl.ds(sid * ROWS_PER_SUB, ROWS_PER_SUB)])
    pltpu.sync_copy(src_hbm.at[wid], src_v)
    pltpu.sync_copy(dst_hbm.at[wid], dst_v)
    plsc.subcore_barrier()

    def body(j, carry):
        pltpu.async_copy(hs_hbm.at[src_v.at[j]], rows_v, sem).wait()
        pltpu.sync_copy(rows_v, agg_sh.at[dst_v.at[j]], add=True)
        return carry

    @pl.when(cid == 0)
    def _():
        lax.fori_loop(0, RC0, body, 0)

    @pl.when(cid != 0)
    def _():
        lax.fori_loop(0, RC1, body, 0)

    plsc.subcore_barrier()
    off = cid * NP + sid * ROWS_PER_SUB
    pltpu.sync_copy(agg_sh.at[pl.ds(sid * ROWS_PER_SUB, ROWS_PER_SUB)],
                    out_hbm.at[pl.ds(off, ROWS_PER_SUB)])



@functools.partial(
    pl.kernel,
    out_type=jax.ShapeDtypeStruct((NC * NP, D), jnp.float32),
    mesh=_MESH,
    scratch_types=[
        pltpu.VMEM((STRIDE, CHUNK), jnp.int32),
        pltpu.VMEM((CHUNK, D), jnp.float32),
        pltpu.VMEM_SHARED((NP, D), jnp.float32),
    ],
)
def _sc_deg(dst_hbm, ones_hbm, zeros_hbm, out_hbm, dst_v, ones_v, deg_sh):
    cid = lax.axis_index("c")
    sid = lax.axis_index("s")
    wid = cid * NS + sid
    pltpu.sync_copy(zeros_hbm.at[pl.ds(sid * ROWS_PER_SUB, ROWS_PER_SUB)],
                    deg_sh.at[pl.ds(sid * ROWS_PER_SUB, ROWS_PER_SUB)])
    pltpu.sync_copy(ones_hbm, ones_v)
    pltpu.sync_copy(dst_hbm.at[wid], dst_v)
    plsc.subcore_barrier()

    def body(j, carry):
        pltpu.sync_copy(ones_v, deg_sh.at[dst_v.at[j]], add=True)
        return carry

    @pl.when(cid == 0)
    def _():
        lax.fori_loop(0, RC0, body, 0)

    @pl.when(cid != 0)
    def _():
        lax.fori_loop(0, RC1, body, 0)

    plsc.subcore_barrier()
    off = cid * NP + sid * ROWS_PER_SUB
    pltpu.sync_copy(deg_sh.at[pl.ds(sid * ROWS_PER_SUB, ROWS_PER_SUB)],
                    out_hbm.at[pl.ds(off, ROWS_PER_SUB)])



_R = 512


def _dinv_of(deg2_ref):
    deg = deg2_ref[0, :, 0:1] + deg2_ref[1, :, 0:1] + 1.0
    return lax.rsqrt(deg)


def _pre_body(x_ref, w_ref, deg2_ref, o_ref):
    dinv = _dinv_of(deg2_ref)
    h = jnp.dot(x_ref[...], w_ref[...], preferred_element_type=jnp.float32)
    o_ref[...] = h * dinv


def _mid_body(agg_ref, hs_ref, deg2_ref, w_ref, b_ref, o_ref):
    dinv = _dinv_of(deg2_ref)
    t = (agg_ref[0] + agg_ref[1] + hs_ref[...]) * dinv + b_ref[...]
    t = jnp.maximum(t, 0.0)
    nrm = jnp.sqrt(jnp.sum(t * t, axis=1, keepdims=True))
    t = t / jnp.clip(nrm, 1e-12, None)
    o_ref[...] = jnp.dot(t, w_ref[...], preferred_element_type=jnp.float32) * dinv


def _fin_body(agg_ref, hs_ref, deg2_ref, b_ref, o_ref):
    dinv = _dinv_of(deg2_ref)
    o_ref[...] = (agg_ref[0] + agg_ref[1] + hs_ref[...]) * dinv + b_ref[...]


_ROW_SPEC = pl.BlockSpec((_R, D), lambda i: (i, 0))
_AGG_SPEC = pl.BlockSpec((NC, _R, D), lambda i: (0, i, 0))
_DEG_SPEC = pl.BlockSpec((NC, _R, 8), lambda i: (0, i, 0))
_W_SPEC = pl.BlockSpec((D, D), lambda i: (0, 0))
_B_SPEC = pl.BlockSpec((1, D), lambda i: (0, 0))
_GRID = (NP // _R,)
_OUT = jax.ShapeDtypeStruct((NP, D), jnp.float32)

_tc_pre = pl.pallas_call(
    _pre_body, grid=_GRID, out_shape=_OUT,
    in_specs=[_ROW_SPEC, _W_SPEC, _DEG_SPEC], out_specs=_ROW_SPEC)

_tc_mid = pl.pallas_call(
    _mid_body, grid=_GRID, out_shape=_OUT,
    in_specs=[_AGG_SPEC, _ROW_SPEC, _DEG_SPEC, _W_SPEC, _B_SPEC],
    out_specs=_ROW_SPEC)

_tc_fin = pl.pallas_call(
    _fin_body, grid=_GRID, out_shape=_OUT,
    in_specs=[_AGG_SPEC, _ROW_SPEC, _DEG_SPEC, _B_SPEC], out_specs=_ROW_SPEC)


def _pack_edges(idx):
    e0 = (NW // 2) * RC0 * CHUNK
    e1 = (NW // 2) * RC1 * CHUNK
    c0 = idx[:e0].reshape(NW // 2, RC0, CHUNK)
    c1 = jnp.concatenate(
        [idx[e0:], jnp.full((e0 + e1 - E,), N, jnp.int32)]
    ).reshape(NW // 2, RC1, CHUNK)
    c1 = jnp.concatenate(
        [c1, jnp.full((NW // 2, STRIDE - RC1, CHUNK), N, jnp.int32)], axis=1)
    return jnp.concatenate([c0, c1], axis=0)


def kernel(x, edge_index, W1, b1, W2, b2, W3, b3):
    src = edge_index[0].astype(jnp.int32)
    dst = edge_index[1].astype(jnp.int32)
    src_t = _pack_edges(src)
    dst_t = _pack_edges(dst)
    x_pad = jnp.pad(x, ((0, NP - N), (0, 0)))

    zeros = jnp.zeros((NP, D), jnp.float32)
    onesD = jnp.ones((CHUNK, D), jnp.float32)

    deg2 = _sc_deg(dst_t, onesD, zeros).reshape(NC, NP, D)[:, :, :8]

    hs = _tc_pre(x_pad, W1, deg2)
    agg = _sc_agg(hs, src_t, dst_t, zeros).reshape(NC, NP, D)
    hs = _tc_mid(agg, hs, deg2, W2, b1.reshape(1, D))
    agg = _sc_agg(hs, src_t, dst_t, zeros).reshape(NC, NP, D)
    hs = _tc_mid(agg, hs, deg2, W3, b2.reshape(1, D))
    agg = _sc_agg(hs, src_t, dst_t, zeros).reshape(NC, NP, D)
    out = _tc_fin(agg, hs, deg2, b3.reshape(1, D))
    return out[:N]

# --- scband reference (transcript-rebuilt; emitter-appended) ---
"""Pipeline reference for scband-gen-gnn-62723702391548 (READ-ONLY COPY).

The authoritative reference and input builder live on the scoring server;
editing this copy changes nothing except your own understanding.
"""

import jax, jax.numpy as jnp
import numpy as np

N_NODES = 10000
N_EDGES = 320000
D = 128


def gcn_conv(x, src, dst, W, b, num_nodes):
    # GCNConv with added self-loops and symmetric normalization
    loop = jnp.arange(num_nodes, dtype=src.dtype)
    s = jnp.concatenate([src, loop])
    d = jnp.concatenate([dst, loop])
    h = x @ W
    deg = jnp.zeros((num_nodes,), dtype=h.dtype).at[d].add(1.0)
    dinv = 1.0 / jnp.sqrt(jnp.clip(deg, 1.0, None))
    norm = dinv[s] * dinv[d]
    msg = h[s] * norm[:, None]
    out = jnp.zeros((num_nodes, h.shape[1]), dtype=h.dtype).at[d].add(msg)
    return out + b


def l2_normalize(x, eps=1e-12):
    n = jnp.sqrt(jnp.sum(x * x, axis=1, keepdims=True))
    return x / jnp.clip(n, eps, None)


def setup_inputs(seed: int = 0) -> dict:
    key = jax.random.key(seed)
    ks = jax.random.split(key, 8)
    x = jax.random.normal(ks[0], (N_NODES, D), dtype=jnp.float32)
    edge_index = jax.random.randint(ks[1], (2, N_EDGES), 0, N_NODES, dtype=jnp.int64)
    scale = 1.0 / np.sqrt(D)
    W1 = jax.random.normal(ks[2], (D, D), dtype=jnp.float32) * scale
    b1 = jnp.zeros((D,), dtype=jnp.float32)
    W2 = jax.random.normal(ks[3], (D, D), dtype=jnp.float32) * scale
    b2 = jnp.zeros((D,), dtype=jnp.float32)
    W3 = jax.random.normal(ks[4], (D, D), dtype=jnp.float32) * scale
    b3 = jnp.zeros((D,), dtype=jnp.float32)
    return {"x": x, "edge_index": edge_index, "W1": W1, "b1": b1, "W2": W2, "b2": b2, "W3": W3, "b3": b3}


def reference(x, edge_index, W1, b1, W2, b2, W3, b3):
    # GenGNN forward with defaults: no init MLP (init_layers=0), dropout p=0 (eval),
    # dropedge=0, residual=None, jk=None, subg_pool=None -> has_classifier=False.
    # Per layer i < conv_layers-1: conv -> relu -> L2 normalize (out_norm=True).
    src, dst = edge_index[0], edge_index[1]
    num_nodes = x.shape[0]
    h = gcn_conv(x, src, dst, W1, b1, num_nodes)
    h = jax.nn.relu(h)
    h = l2_normalize(h)
    h = gcn_conv(h, src, dst, W2, b2, num_nodes)
    h = jax.nn.relu(h)
    h = l2_normalize(h)
    h = gcn_conv(h, src, dst, W3, b3, num_nodes)
    return h

if __name__ == "__main__":
    import jax
    _d = setup_inputs()
    print(jax.jit(kernel)(*tuple(_d.values())))

</pallas_src>

<mosaic_0001>
#map = affine_map<(d0, d1) -> (0, 0, 0)>
#map1 = affine_map<(d0, d1) -> (0, 0)>
module attributes {stable_mosaic.version = 14 : i64} {
  func.func @_sc_deg(%arg0: i32, %arg1: i32, %arg2: memref<32x100x128xi32, #tpu.memory_space<hbm>>, %arg3: memref<128x128xf32, #tpu.memory_space<hbm>>, %arg4: memref<10240x128xf32, #tpu.memory_space<hbm>>, %arg5: memref<20480x128xf32, #tpu.memory_space<hbm>>, %arg6: memref<100x128xi32, #tpu.memory_space<vmem>>, %arg7: memref<128x128xf32, #tpu.memory_space<vmem>>, %arg8: memref<10240x128xf32, #tpu.memory_space<vmem_shared>>) attributes {dimension_semantics = [#tpu.dimension_semantics<core_parallel>, #tpu.dimension_semantics<subcore_parallel>], iteration_bounds = array<i64: 2, 16>, scalar_prefetch = 0 : i64, scratch_operands = 3 : i64, tpu.core_type = #tpu.core_type<sc_vector_subcore>, window_params = [{transform_indices = #map}, {transform_indices = #map1}, {transform_indices = #map1}, {transform_indices = #map1}]} {
    %mul3A = arith.constant 16 : i32
    %mul3A_0 = arith.muli %arg0, %mul3A : i32
    %add3A = arith.addi %mul3A_0, %arg1 : i32
    %mul3A_1 = arith.constant 640 : i32
    %mul3A_2 = arith.muli %arg1, %mul3A_1 : i32
    %mul3A_3 = arith.constant 640 : i32
    %mul3A_4 = arith.muli %arg1, %mul3A_3 : i32
    "tpu.region"() ({
      %run_scoped3A = tpu.sem_alloc : memref<!tpu.dma_semaphore, #tpu.memory_space<semaphore_mem>>
      %dma_start3A = arith.constant 0 : i32
      %dma_start3A_19 = tpu.memref_slice %arg8[%mul3A_4, %dma_start3A] : memref<10240x128xf32, #tpu.memory_space<vmem_shared>> -> memref<640x128xf32, #tpu.memory_space<vmem_shared>>
      %dma_start3A_20 = arith.constant 0 : i32
      %dma_start3A_21 = tpu.memref_slice %arg4[%mul3A_2, %dma_start3A_20] : memref<10240x128xf32, #tpu.memory_space<hbm>> -> memref<640x128xf32, #tpu.memory_space<hbm>>
      tpu.enqueue_dma source(%dma_start3A_21 : memref<640x128xf32, #tpu.memory_space<hbm>>) target(%dma_start3A_19 : memref<640x128xf32, #tpu.memory_space<vmem_shared>>) target_semaphore(%run_scoped3A : memref<!tpu.dma_semaphore, #tpu.memory_space<semaphore_mem>>)
      %dma_wait3A = arith.constant 0 : i32
      %dma_wait3A_22 = tpu.memref_slice %arg8[%mul3A_4, %dma_wait3A] : memref<10240x128xf32, #tpu.memory_space<vmem_shared>> -> memref<640x128xf32, #tpu.memory_space<vmem_shared>>
      %dma_wait3A_23 = arith.constant 0 : i32
      %dma_wait3A_24 = tpu.memref_slice %arg4[%mul3A_2, %dma_wait3A_23] : memref<10240x128xf32, #tpu.memory_space<hbm>> -> memref<640x128xf32, #tpu.memory_space<hbm>>
      tpu.wait_dma2 semaphore(%run_scoped3A : memref<!tpu.dma_semaphore, #tpu.memory_space<semaphore_mem>>) src(%dma_wait3A_24 : memref<640x128xf32, #tpu.memory_space<hbm>>) dst(%dma_wait3A_22 : memref<640x128xf32, #tpu.memory_space<vmem_shared>>)
      tpu.yield
    }) : () -> ()
    "tpu.region"() ({
      %run_scoped3A = tpu.sem_alloc : memref<!tpu.dma_semaphore, #tpu.memory_space<semaphore_mem>>
      tpu.enqueue_dma source(%arg3 : memref<128x128xf32, #tpu.memory_space<hbm>>) target(%arg7 : memref<128x128xf32, #tpu.memory_space<vmem>>) target_semaphore(%run_scoped3A : memref<!tpu.dma_semaphore, #tpu.memory_space<semaphore_mem>>)
      tpu.wait_dma2 semaphore(%run_scoped3A : memref<!tpu.dma_semaphore, #tpu.memory_space<semaphore_mem>>) src(%arg3 : memref<128x128xf32, #tpu.memory_space<hbm>>) dst(%arg7 : memref<128x128xf32, #tpu.memory_space<vmem>>)
      tpu.yield
    }) : () -> ()
    "tpu.region"() ({
      %run_scoped3A = tpu.sem_alloc : memref<!tpu.dma_semaphore, #tpu.memory_space<semaphore_mem>>
      %dma_start3A = arith.constant 0 : i32
      %dma_start3A_19 = arith.constant 0 : i32
      %dma_start3A_20 = tpu.memref_slice %arg2[%add3A, %dma_start3A, %dma_start3A_19] : memref<32x100x128xi32, #tpu.memory_space<hbm>> -> memref<1x100x128xi32, #tpu.memory_space<hbm>>
      %dma_start3A_21 = tpu.memref_squeeze %dma_start3A_20 : memref<1x100x128xi32, #tpu.memory_space<hbm>> -> memref<100x128xi32, #tpu.memory_space<hbm>>
      %dma_start3A_22 = arith.constant 0 : i32
      %dma_start3A_23 = arith.constant 0 : i32
      %dma_start3A_24 = tpu.memref_slice %arg2[%add3A, %dma_start3A_22, %dma_start3A_23] : memref<32x100x128xi32, #tpu.memory_space<hbm>> -> memref<1x100x128xi32, #tpu.memory_space<hbm>>
      %dma_start3A_25 = tpu.memref_squeeze %dma_start3A_24 : memref<1x100x128xi32, #tpu.memory_space<hbm>> -> memref<100x128xi32, #tpu.memory_space<hbm>>
      tpu.enqueue_dma source(%dma_start3A_25 : memref<100x128xi32, #tpu.memory_space<hbm>>) target(%arg6 : memref<100x128xi32, #tpu.memory_space<vmem>>) target_semaphore(%run_scoped3A : memref<!tpu.dma_semaphore, #tpu.memory_space<semaphore_mem>>)
      %dma_wait3A = arith.constant 0 : i32
      %dma_wait3A_26 = arith.constant 0 : i32
      %dma_wait3A_27 = tpu.memref_slice %arg2[%add3A, %dma_wait3A, %dma_wait3A_26] : memref<32x100x128xi32, #tpu.memory_space<hbm>> -> memref<1x100x128xi32, #tpu.memory_space<hbm>>
      %dma_wait3A_28 = tpu.memref_squeeze %dma_wait3A_27 : memref<1x100x128xi32, #tpu.memory_space<hbm>> -> memref<100x128xi32, #tpu.memory_space<hbm>>
      %dma_wait3A_29 = arith.constant 0 : i32
      %dma_wait3A_30 = arith.constant 0 : i32
      %dma_wait3A_31 = tpu.memref_slice %arg2[%add3A, %dma_wait3A_29, %dma_wait3A_30] : memref<32x100x128xi32, #tpu.memory_space<hbm>> -> memref<1x100x128xi32, #tpu.memory_space<hbm>>
      %dma_wait3A_32 = tpu.memref_squeeze %dma_wait3A_31 : memref<1x100x128xi32, #tpu.memory_space<hbm>> -> memref<100x128xi32, #tpu.memory_space<hbm>>
      tpu.wait_dma2 semaphore(%run_scoped3A : memref<!tpu.dma_semaphore, #tpu.memory_space<semaphore_mem>>) src(%dma_wait3A_32 : memref<100x128xi32, #tpu.memory_space<hbm>>) dst(%arg6 : memref<100x128xi32, #tpu.memory_space<vmem>>)
      tpu.yield
    }) : () -> ()
    %barrier3A = arith.constant 0 : index
    tpu.barrier barrier_id(%barrier3A)
    %eq3A = arith.constant 0 : i32
    %eq3A_5 = arith.cmpi eq, %arg0, %eq3A : i32
    %convert_element_type3A = arith.extui %eq3A_5 : i1 to i32
    %cond3A = arith.constant 0 : i32
    %cond3A_6 = arith.cmpi ne, %convert_element_type3A, %cond3A : i32
    scf.if %cond3A_6 {
      %scan3A = arith.constant 0 : i32
      %scan3A_19 = arith.constant 0 : i32
      %scan3A_20 = arith.constant 100 : i32
      %scan3A_21 = arith.addi %scan3A_19, %scan3A_20 : i32
      %scan3A_22 = arith.constant 1 : i32
      scf.for %scan3A_24 = %scan3A_19 to %scan3A_21 step %scan3A_22  : i32 {
        "tpu.region"() ({
          %run_scoped3A = tpu.sem_alloc : memref<!tpu.dma_semaphore, #tpu.memory_space<semaphore_mem>>
          %dma_start3A = arith.constant 0 : i32
          %dma_start3A_25 = tpu.memref_slice %arg6[%scan3A_24, %dma_start3A] : memref<100x128xi32, #tpu.memory_space<vmem>> -> memref<1x128xi32, #tpu.memory_space<vmem>>
          %dma_start3A_26 = tpu.memref_squeeze %dma_start3A_25 : memref<1x128xi32, #tpu.memory_space<vmem>> -> memref<128xi32, #tpu.memory_space<vmem>>
          %dma_start3A_27 = arith.constant 0 : i32
          %dma_start3A_28 = arith.constant 0 : i32
          %dma_start3A_29 = tpu.memref_slice %arg8[%dma_start3A_27, %dma_start3A_28] : memref<10240x128xf32, #tpu.memory_space<vmem_shared>> -> memref<10240x128xf32, #tpu.memory_space<vmem_shared>>
          tpu.enqueue_indirect_dma source(%arg7 : memref<128x128xf32, #tpu.memory_space<vmem>>) target(%dma_start3A_29 : memref<10240x128xf32, #tpu.memory_space<vmem_shared>>) offsets(%dma_start3A_26 : memref<128xi32, #tpu.memory_space<vmem>>) semaphore(%run_scoped3A : memref<!tpu.dma_semaphore, #tpu.memory_space<semaphore_mem>>) {add = true}
          %dma_wait3A = arith.constant 0 : i32
          %dma_wait3A_30 = tpu.memref_slice %arg6[%scan3A_24, %dma_wait3A] : memref<100x128xi32, #tpu.memory_space<vmem>> -> memref<1x128xi32, #tpu.memory_space<vmem>>
          %dma_wait3A_31 = tpu.memref_squeeze %dma_wait3A_30 : memref<1x128xi32, #tpu.memory_space<vmem>> -> memref<128xi32, #tpu.memory_space<vmem>>
          %dma_wait3A_32 = arith.constant 0 : i32
          %dma_wait3A_33 = arith.constant 0 : i32
          %dma_wait3A_34 = tpu.memref_slice %arg8[%dma_wait3A_32, %dma_wait3A_33] : memref<10240x128xf32, #tpu.memory_space<vmem_shared>> -> memref<10240x128xf32, #tpu.memory_space<vmem_shared>>
          tpu.wait_indirect_dma semaphore(%run_scoped3A : memref<!tpu.dma_semaphore, #tpu.memory_space<semaphore_mem>>) src(%arg7 : memref<128x128xf32, #tpu.memory_space<vmem>>) dst(%dma_wait3A_34 : memref<10240x128xf32, #tpu.memory_space<vmem_shared>>)
          tpu.yield
        }) : () -> ()
      }
      %scan3A_23 = arith.constant 100 : i32
    } else {
    }
    %ne3A = arith.constant 0 : i32
    %ne3A_7 = arith.cmpi ne, %arg0, %ne3A : i32
    %convert_element_type3A_8 = arith.extui %ne3A_7 : i1 to i32
    %cond3A_9 = arith.constant 0 : i32
    %cond3A_10 = arith.cmpi ne, %convert_element_type3A_8, %cond3A_9 : i32
    scf.if %cond3A_10 {
      %scan3A = arith.constant 0 : i32
      %scan3A_19 = arith.constant 0 : i32
      %scan3A_20 = arith.constant 57 : i32
      %scan3A_21 = arith.addi %scan3A_19, %scan3A_20 : i32
      %scan3A_22 = arith.constant 1 : i32
      scf.for %scan3A_24 = %scan3A_19 to %scan3A_21 step %scan3A_22  : i32 {
        "tpu.region"() ({
          %run_scoped3A = tpu.sem_alloc : memref<!tpu.dma_semaphore, #tpu.memory_space<semaphore_mem>>
          %dma_start3A = arith.constant 0 : i32
          %dma_start3A_25 = tpu.memref_slice %arg6[%scan3A_24, %dma_start3A] : memref<100x128xi32, #tpu.memory_space<vmem>> -> memref<1x128xi32, #tpu.memory_space<vmem>>
          %dma_start3A_26 = tpu.memref_squeeze %dma_start3A_25 : memref<1x128xi32, #tpu.memory_space<vmem>> -> memref<128xi32, #tpu.memory_space<vmem>>
          %dma_start3A_27 = arith.constant 0 : i32
          %dma_start3A_28 = arith.constant 0 : i32
          %dma_start3A_29 = tpu.memref_slice %arg8[%dma_start3A_27, %dma_start3A_28] : memref<10240x128xf32, #tpu.memory_space<vmem_shared>> -> memref<10240x128xf32, #tpu.memory_space<vmem_shared>>
          tpu.enqueue_indirect_dma source(%arg7 : memref<128x128xf32, #tpu.memory_space<vmem>>) target(%dma_start3A_29 : memref<10240x128xf32, #tpu.memory_space<vmem_shared>>) offsets(%dma_start3A_26 : memref<128xi32, #tpu.memory_space<vmem>>) semaphore(%run_scoped3A : memref<!tpu.dma_semaphore, #tpu.memory_space<semaphore_mem>>) {add = true}
          %dma_wait3A = arith.constant 0 : i32
          %dma_wait3A_30 = tpu.memref_slice %arg6[%scan3A_24, %dma_wait3A] : memref<100x128xi32, #tpu.memory_space<vmem>> -> memref<1x128xi32, #tpu.memory_space<vmem>>
          %dma_wait3A_31 = tpu.memref_squeeze %dma_wait3A_30 : memref<1x128xi32, #tpu.memory_space<vmem>> -> memref<128xi32, #tpu.memory_space<vmem>>
          %dma_wait3A_32 = arith.constant 0 : i32
          %dma_wait3A_33 = arith.constant 0 : i32
          %dma_wait3A_34 = tpu.memref_slice %arg8[%dma_wait3A_32, %dma_wait3A_33] : memref<10240x128xf32, #tpu.memory_space<vmem_shared>> -> memref<10240x128xf32, #tpu.memory_space<vmem_shared>>
          tpu.wait_indirect_dma semaphore(%run_scoped3A : memref<!tpu.dma_semaphore, #tpu.memory_space<semaphore_mem>>) src(%arg7 : memref<128x128xf32, #tpu.memory_space<vmem>>) dst(%dma_wait3A_34 : memref<10240x128xf32, #tpu.memory_space<vmem_shared>>)
          tpu.yield
        }) : () -> ()
      }
      %scan3A_23 = arith.constant 57 : i32
    } else {
    }
    %barrier3A_11 = arith.constant 0 : index
    tpu.barrier barrier_id(%barrier3A_11)
    %mul3A_12 = arith.constant 10240 : i32
    %mul3A_13 = arith.muli %arg0, %mul3A_12 : i32
    %mul3A_14 = arith.constant 640 : i32
    %mul3A_15 = arith.muli %arg1, %mul3A_14 : i32
    %add3A_16 = arith.addi %mul3A_13, %mul3A_15 : i32
    %mul3A_17 = arith.constant 640 : i32
    %mul3A_18 = arith.muli %arg1, %mul3A_17 : i32
    "tpu.region"() ({
      %run_scoped3A = tpu.sem_alloc : memref<!tpu.dma_semaphore, #tpu.memory_space<semaphore_mem>>
      %dma_start3A = arith.constant 0 : i32
      %dma_start3A_19 = tpu.memref_slice %arg5[%add3A_16, %dma_start3A] : memref<20480x128xf32, #tpu.memory_space<hbm>> -> memref<640x128xf32, #tpu.memory_space<hbm>>
      %dma_start3A_20 = arith.constant 0 : i32
      %dma_start3A_21 = tpu.memref_slice %arg8[%mul3A_18, %dma_start3A_20] : memref<10240x128xf32, #tpu.memory_space<vmem_shared>> -> memref<640x128xf32, #tpu.memory_space<vmem_shared>>
      tpu.enqueue_dma source(%dma_start3A_21 : memref<640x128xf32, #tpu.memory_space<vmem_shared>>) target(%dma_start3A_19 : memref<640x128xf32, #tpu.memory_space<hbm>>) target_semaphore(%run_scoped3A : memref<!tpu.dma_semaphore, #tpu.memory_space<semaphore_mem>>)
      %dma_wait3A = arith.constant 0 : i32
      %dma_wait3A_22 = tpu.memref_slice %arg5[%add3A_16, %dma_wait3A] : memref<20480x128xf32, #tpu.memory_space<hbm>> -> memref<640x128xf32, #tpu.memory_space<hbm>>
      %dma_wait3A_23 = arith.constant 0 : i32
      %dma_wait3A_24 = tpu.memref_slice %arg8[%mul3A_18, %dma_wait3A_23] : memref<10240x128xf32, #tpu.memory_space<vmem_shared>> -> memref<640x128xf32, #tpu.memory_space<vmem_shared>>
      tpu.wait_dma2 semaphore(%run_scoped3A : memref<!tpu.dma_semaphore, #tpu.memory_space<semaphore_mem>>) src(%dma_wait3A_24 : memref<640x128xf32, #tpu.memory_space<vmem_shared>>) dst(%dma_wait3A_22 : memref<640x128xf32, #tpu.memory_space<hbm>>)
      tpu.yield
    }) : () -> ()
    return
  }
}

#map = affine_map<(d0, d1) -> (0, 0)>
#map1 = affine_map<(d0, d1) -> (0, 0, 0)>
module attributes {stable_mosaic.version = 14 : i64} {
  func.func @_sc_agg(%arg0: i32, %arg1: i32, %arg2: memref<10240x128xf32, #tpu.memory_space<hbm>>, %arg3: memref<32x100x128xi32, #tpu.memory_space<hbm>>, %arg4: memref<32x100x128xi32, #tpu.memory_space<hbm>>, %arg5: memref<10240x128xf32, #tpu.memory_space<hbm>>, %arg6: memref<20480x128xf32, #tpu.memory_space<hbm>>, %arg7: memref<100x128xi32, #tpu.memory_space<vmem>>, %arg8: memref<100x128xi32, #tpu.memory_space<vmem>>, %arg9: memref<128x128xf32, #tpu.memory_space<vmem>>, %arg10: memref<10240x128xf32, #tpu.memory_space<vmem_shared>>, %arg11: memref<!tpu.dma_semaphore, #tpu.memory_space<semaphore_mem>>) attributes {dimension_semantics = [#tpu.dimension_semantics<core_parallel>, #tpu.dimension_semantics<subcore_parallel>], iteration_bounds = array<i64: 2, 16>, scalar_prefetch = 0 : i64, scratch_operands = 5 : i64, tpu.core_type = #tpu.core_type<sc_vector_subcore>, window_params = [{transform_indices = #map}, {transform_indices = #map1}, {transform_indices = #map1}, {transform_indices = #map}, {transform_indices = #map}]} {
    %mul3A = arith.constant 16 : i32
    %mul3A_0 = arith.muli %arg0, %mul3A : i32
    %add3A = arith.addi %mul3A_0, %arg1 : i32
    %mul3A_1 = arith.constant 640 : i32
    %mul3A_2 = arith.muli %arg1, %mul3A_1 : i32
    %mul3A_3 = arith.constant 640 : i32
    %mul3A_4 = arith.muli %arg1, %mul3A_3 : i32
    "tpu.region"() ({
      %run_scoped3A = tpu.sem_alloc : memref<!tpu.dma_semaphore, #tpu.memory_space<semaphore_mem>>
      %dma_start3A = arith.constant 0 : i32
      %dma_start3A_19 = tpu.memref_slice %arg10[%mul3A_4, %dma_start3A] : memref<10240x128xf32, #tpu.memory_space<vmem_shared>> -> memref<640x128xf32, #tpu.memory_space<vmem_shared>>
      %dma_start3A_20 = arith.constant 0 : i32
      %dma_start3A_21 = tpu.memref_slice %arg5[%mul3A_2, %dma_start3A_20] : memref<10240x128xf32, #tpu.memory_space<hbm>> -> memref<640x128xf32, #tpu.memory_space<hbm>>
      tpu.enqueue_dma source(%dma_start3A_21 : memref<640x128xf32, #tpu.memory_space<hbm>>) target(%dma_start3A_19 : memref<640x128xf32, #tpu.memory_space<vmem_shared>>) target_semaphore(%run_scoped3A : memref<!tpu.dma_semaphore, #tpu.memory_space<semaphore_mem>>)
      %dma_wait3A = arith.constant 0 : i32
      %dma_wait3A_22 = tpu.memref_slice %arg10[%mul3A_4, %dma_wait3A] : memref<10240x128xf32, #tpu.memory_space<vmem_shared>> -> memref<640x128xf32, #tpu.memory_space<vmem_shared>>
      %dma_wait3A_23 = arith.constant 0 : i32
      %dma_wait3A_24 = tpu.memref_slice %arg5[%mul3A_2, %dma_wait3A_23] : memref<10240x128xf32, #tpu.memory_space<hbm>> -> memref<640x128xf32, #tpu.memory_space<hbm>>
      tpu.wait_dma2 semaphore(%run_scoped3A : memref<!tpu.dma_semaphore, #tpu.memory_space<semaphore_mem>>) src(%dma_wait3A_24 : memref<640x128xf32, #tpu.memory_space<hbm>>) dst(%dma_wait3A_22 : memref<640x128xf32, #tpu.memory_space<vmem_shared>>)
      tpu.yield
    }) : () -> ()
    "tpu.region"() ({
      %run_scoped3A = tpu.sem_alloc : memref<!tpu.dma_semaphore, #tpu.memory_space<semaphore_mem>>
      %dma_start3A = arith.constant 0 : i32
      %dma_start3A_19 = arith.constant 0 : i32
      %dma_start3A_20 = tpu.memref_slice %arg3[%add3A, %dma_start3A, %dma_start3A_19] : memref<32x100x128xi32, #tpu.memory_space<hbm>> -> memref<1x100x128xi32, #tpu.memory_space<hbm>>
      %dma_start3A_21 = tpu.memref_squeeze %dma_start3A_20 : memref<1x100x128xi32, #tpu.memory_space<hbm>> -> memref<100x128xi32, #tpu.memory_space<hbm>>
      %dma_start3A_22 = arith.constant 0 : i32
      %dma_start3A_23 = arith.constant 0 : i32
      %dma_start3A_24 = tpu.memref_slice %arg3[%add3A, %dma_start3A_22, %dma_start3A_23] : memref<32x100x128xi32, #tpu.memory_space<hbm>> -> memref<1x100x128xi32, #tpu.memory_space<hbm>>
      %dma_start3A_25 = tpu.memref_squeeze %dma_start3A_24 : memref<1x100x128xi32, #tpu.memory_space<hbm>> -> memref<100x128xi32, #tpu.memory_space<hbm>>
      tpu.enqueue_dma source(%dma_start3A_25 : memref<100x128xi32, #tpu.memory_space<hbm>>) target(%arg7 : memref<100x128xi32, #tpu.memory_space<vmem>>) target_semaphore(%run_scoped3A : memref<!tpu.dma_semaphore, #tpu.memory_space<semaphore_mem>>)
      %dma_wait3A = arith.constant 0 : i32
      %dma_wait3A_26 = arith.constant 0 : i32
      %dma_wait3A_27 = tpu.memref_slice %arg3[%add3A, %dma_wait3A, %dma_wait3A_26] : memref<32x100x128xi32, #tpu.memory_space<hbm>> -> memref<1x100x128xi32, #tpu.memory_space<hbm>>
      %dma_wait3A_28 = tpu.memref_squeeze %dma_wait3A_27 : memref<1x100x128xi32, #tpu.memory_space<hbm>> -> memref<100x128xi32, #tpu.memory_space<hbm>>
      %dma_wait3A_29 = arith.constant 0 : i32
      %dma_wait3A_30 = arith.constant 0 : i32
      %dma_wait3A_31 = tpu.memref_slice %arg3[%add3A, %dma_wait3A_29, %dma_wait3A_30] : memref<32x100x128xi32, #tpu.memory_space<hbm>> -> memref<1x100x128xi32, #tpu.memory_space<hbm>>
      %dma_wait3A_32 = tpu.memref_squeeze %dma_wait3A_31 : memref<1x100x128xi32, #tpu.memory_space<hbm>> -> memref<100x128xi32, #tpu.memory_space<hbm>>
      tpu.wait_dma2 semaphore(%run_scoped3A : memref<!tpu.dma_semaphore, #tpu.memory_space<semaphore_mem>>) src(%dma_wait3A_32 : memref<100x128xi32, #tpu.memory_space<hbm>>) dst(%arg7 : memref<100x128xi32, #tpu.memory_space<vmem>>)
      tpu.yield
    }) : () -> ()
    "tpu.region"() ({
      %run_scoped3A = tpu.sem_alloc : memref<!tpu.dma_semaphore, #tpu.memory_space<semaphore_mem>>
      %dma_start3A = arith.constant 0 : i32
      %dma_start3A_19 = arith.constant 0 : i32
      %dma_start3A_20 = tpu.memref_slice %arg4[%add3A, %dma_start3A, %dma_start3A_19] : memref<32x100x128xi32, #tpu.memory_space<hbm>> -> memref<1x100x128xi32, #tpu.memory_space<hbm>>
      %dma_start3A_21 = tpu.memref_squeeze %dma_start3A_20 : memref<1x100x128xi32, #tpu.memory_space<hbm>> -> memref<100x128xi32, #tpu.memory_space<hbm>>
      %dma_start3A_22 = arith.constant 0 : i32
      %dma_start3A_23 = arith.constant 0 : i32
      %dma_start3A_24 = tpu.memref_slice %arg4[%add3A, %dma_start3A_22, %dma_start3A_23] : memref<32x100x128xi32, #tpu.memory_space<hbm>> -> memref<1x100x128xi32, #tpu.memory_space<hbm>>
      %dma_start3A_25 = tpu.memref_squeeze %dma_start3A_24 : memref<1x100x128xi32, #tpu.memory_space<hbm>> -> memref<100x128xi32, #tpu.memory_space<hbm>>
      tpu.enqueue_dma source(%dma_start3A_25 : memref<100x128xi32, #tpu.memory_space<hbm>>) target(%arg8 : memref<100x128xi32, #tpu.memory_space<vmem>>) target_semaphore(%run_scoped3A : memref<!tpu.dma_semaphore, #tpu.memory_space<semaphore_mem>>)
      %dma_wait3A = arith.constant 0 : i32
      %dma_wait3A_26 = arith.constant 0 : i32
      %dma_wait3A_27 = tpu.memref_slice %arg4[%add3A, %dma_wait3A, %dma_wait3A_26] : memref<32x100x128xi32, #tpu.memory_space<hbm>> -> memref<1x100x128xi32, #tpu.memory_space<hbm>>
      %dma_wait3A_28 = tpu.memref_squeeze %dma_wait3A_27 : memref<1x100x128xi32, #tpu.memory_space<hbm>> -> memref<100x128xi32, #tpu.memory_space<hbm>>
      %dma_wait3A_29 = arith.constant 0 : i32
      %dma_wait3A_30 = arith.constant 0 : i32
      %dma_wait3A_31 = tpu.memref_slice %arg4[%add3A, %dma_wait3A_29, %dma_wait3A_30] : memref<32x100x128xi32, #tpu.memory_space<hbm>> -> memref<1x100x128xi32, #tpu.memory_space<hbm>>
      %dma_wait3A_32 = tpu.memref_squeeze %dma_wait3A_31 : memref<1x100x128xi32, #tpu.memory_space<hbm>> -> memref<100x128xi32, #tpu.memory_space<hbm>>
      tpu.wait_dma2 semaphore(%run_scoped3A : memref<!tpu.dma_semaphore, #tpu.memory_space<semaphore_mem>>) src(%dma_wait3A_32 : memref<100x128xi32, #tpu.memory_space<hbm>>) dst(%arg8 : memref<100x128xi32, #tpu.memory_space<vmem>>)
      tpu.yield
    }) : () -> ()
    %barrier3A = arith.constant 0 : index
    tpu.barrier barrier_id(%barrier3A)
    %eq3A = arith.constant 0 : i32
    %eq3A_5 = arith.cmpi eq, %arg0, %eq3A : i32
    %convert_element_type3A = arith.extui %eq3A_5 : i1 to i32
    %cond3A = arith.constant 0 : i32
    %cond3A_6 = arith.cmpi ne, %convert_element_type3A, %cond3A : i32
    scf.if %cond3A_6 {
      %scan3A = arith.constant 0 : i32
      %scan3A_19 = arith.constant 0 : i32
      %scan3A_20 = arith.constant 100 : i32
      %scan3A_21 = arith.addi %scan3A_19, %scan3A_20 : i32
      %scan3A_22 = arith.constant 1 : i32
      scf.for %scan3A_24 = %scan3A_19 to %scan3A_21 step %scan3A_22  : i32 {
        %dma_start3A = arith.constant 0 : i32
        %dma_start3A_25 = tpu.memref_slice %arg7[%scan3A_24, %dma_start3A] : memref<100x128xi32, #tpu.memory_space<vmem>> -> memref<1x128xi32, #tpu.memory_space<vmem>>
        %dma_start3A_26 = tpu.memref_squeeze %dma_start3A_25 : memref<1x128xi32, #tpu.memory_space<vmem>> -> memref<128xi32, #tpu.memory_space<vmem>>
        %dma_start3A_27 = arith.constant 0 : i32
        %dma_start3A_28 = arith.constant 0 : i32
        %dma_start3A_29 = tpu.memref_slice %arg2[%dma_start3A_27, %dma_start3A_28] : memref<10240x128xf32, #tpu.memory_space<hbm>> -> memref<10240x128xf32, #tpu.memory_space<hbm>>
        tpu.enqueue_indirect_dma source(%dma_start3A_29 : memref<10240x128xf32, #tpu.memory_space<hbm>>) target(%arg9 : memref<128x128xf32, #tpu.memory_space<vmem>>) offsets(%dma_start3A_26 : memref<128xi32, #tpu.memory_space<vmem>>) semaphore(%arg11 : memref<!tpu.dma_semaphore, #tpu.memory_space<semaphore_mem>>)
        %dma_wait3A = arith.constant 0 : i32
        %dma_wait3A_30 = tpu.memref_slice %arg7[%scan3A_24, %dma_wait3A] : memref<100x128xi32, #tpu.memory_space<vmem>> -> memref<1x128xi32, #tpu.memory_space<vmem>>
        %dma_wait3A_31 = tpu.memref_squeeze %dma_wait3A_30 : memref<1x128xi32, #tpu.memory_space<vmem>> -> memref<128xi32, #tpu.memory_space<vmem>>
        %dma_wait3A_32 = arith.constant 0 : i32
        %dma_wait3A_33 = arith.constant 0 : i32
        %dma_wait3A_34 = tpu.memref_slice %arg2[%dma_wait3A_32, %dma_wait3A_33] : memref<10240x128xf32, #tpu.memory_space<hbm>> -> memref<10240x128xf32, #tpu.memory_space<hbm>>
        tpu.wait_indirect_dma semaphore(%arg11 : memref<!tpu.dma_semaphore, #tpu.memory_space<semaphore_mem>>) src(%dma_wait3A_34 : memref<10240x128xf32, #tpu.memory_space<hbm>>) dst(%arg9 : memref<128x128xf32, #tpu.memory_space<vmem>>)
        "tpu.region"() ({
          %run_scoped3A = tpu.sem_alloc : memref<!tpu.dma_semaphore, #tpu.memory_space<semaphore_mem>>
          %dma_start3A_35 = arith.constant 0 : i32
          %dma_start3A_36 = tpu.memref_slice %arg8[%scan3A_24, %dma_start3A_35] : memref<100x128xi32, #tpu.memory_space<vmem>> -> memref<1x128xi32, #tpu.memory_space<vmem>>
          %dma_start3A_37 = tpu.memref_squeeze %dma_start3A_36 : memref<1x128xi32, #tpu.memory_space<vmem>> -> memref<128xi32, #tpu.memory_space<vmem>>
          %dma_start3A_38 = arith.constant 0 : i32
          %dma_start3A_39 = arith.constant 0 : i32
          %dma_start3A_40 = tpu.memref_slice %arg10[%dma_start3A_38, %dma_start3A_39] : memref<10240x128xf32, #tpu.memory_space<vmem_shared>> -> memref<10240x128xf32, #tpu.memory_space<vmem_shared>>
          tpu.enqueue_indirect_dma source(%arg9 : memref<128x128xf32, #tpu.memory_space<vmem>>) target(%dma_start3A_40 : memref<10240x128xf32, #tpu.memory_space<vmem_shared>>) offsets(%dma_start3A_37 : memref<128xi32, #tpu.memory_space<vmem>>) semaphore(%run_scoped3A : memref<!tpu.dma_semaphore, #tpu.memory_space<semaphore_mem>>) {add = true}
          %dma_wait3A_41 = arith.constant 0 : i32
          %dma_wait3A_42 = tpu.memref_slice %arg8[%scan3A_24, %dma_wait3A_41] : memref<100x128xi32, #tpu.memory_space<vmem>> -> memref<1x128xi32, #tpu.memory_space<vmem>>
          %dma_wait3A_43 = tpu.memref_squeeze %dma_wait3A_42 : memref<1x128xi32, #tpu.memory_space<vmem>> -> memref<128xi32, #tpu.memory_space<vmem>>
          %dma_wait3A_44 = arith.constant 0 : i32
          %dma_wait3A_45 = arith.constant 0 : i32
          %dma_wait3A_46 = tpu.memref_slice %arg10[%dma_wait3A_44, %dma_wait3A_45] : memref<10240x128xf32, #tpu.memory_space<vmem_shared>> -> memref<10240x128xf32, #tpu.memory_space<vmem_shared>>
          tpu.wait_indirect_dma semaphore(%run_scoped3A : memref<!tpu.dma_semaphore, #tpu.memory_space<semaphore_mem>>) src(%arg9 : memref<128x128xf32, #tpu.memory_space<vmem>>) dst(%dma_wait3A_46 : memref<10240x128xf32, #tpu.memory_space<vmem_shared>>)
          tpu.yield
        }) : () -> ()
      }
      %scan3A_23 = arith.constant 100 : i32
    } else {
    }
    %ne3A = arith.constant 0 : i32
    %ne3A_7 = arith.cmpi ne, %arg0, %ne3A : i32
    %convert_element_type3A_8 = arith.extui %ne3A_7 : i1 to i32
    %cond3A_9 = arith.constant 0 : i32
    %cond3A_10 = arith.cmpi ne, %convert_element_type3A_8, %cond3A_9 : i32
    scf.if %cond3A_10 {
      %scan3A = arith.constant 0 : i32
      %scan3A_19 = arith.constant 0 : i32
      %scan3A_20 = arith.constant 57 : i32
      %scan3A_21 = arith.addi %scan3A_19, %scan3A_20 : i32
      %scan3A_22 = arith.constant 1 : i32
      scf.for %scan3A_24 = %scan3A_19 to %scan3A_21 step %scan3A_22  : i32 {
        %dma_start3A = arith.constant 0 : i32
        %dma_start3A_25 = tpu.memref_slice %arg7[%scan3A_24, %dma_start3A] : memref<100x128xi32, #tpu.memory_space<vmem>> -> memref<1x128xi32, #tpu.memory_space<vmem>>
        %dma_start3A_26 = tpu.memref_squeeze %dma_start3A_25 : memref<1x128xi32, #tpu.memory_space<vmem>> -> memref<128xi32, #tpu.memory_space<vmem>>
        %dma_start3A_27 = arith.constant 0 : i32
        %dma_start3A_28 = arith.constant 0 : i32
        %dma_start3A_29 = tpu.memref_slice %arg2[%dma_start3A_27, %dma_start3A_28] : memref<10240x128xf32, #tpu.memory_space<hbm>> -> memref<10240x128xf32, #tpu.memory_space<hbm>>
        tpu.enqueue_indirect_dma source(%dma_start3A_29 : memref<10240x128xf32, #tpu.memory_space<hbm>>) target(%arg9 : memref<128x128xf32, #tpu.memory_space<vmem>>) offsets(%dma_start3A_26 : memref<128xi32, #tpu.memory_space<vmem>>) semaphore(%arg11 : memref<!tpu.dma_semaphore, #tpu.memory_space<semaphore_mem>>)
        %dma_wait3A = arith.constant 0 : i32
        %dma_wait3A_30 = tpu.memref_slice %arg7[%scan3A_24, %dma_wait3A] : memref<100x128xi32, #tpu.memory_space<vmem>> -> memref<1x128xi32, #tpu.memory_space<vmem>>
        %dma_wait3A_31 = tpu.memref_squeeze %dma_wait3A_30 : memref<1x128xi32, #tpu.memory_space<vmem>> -> memref<128xi32, #tpu.memory_space<vmem>>
        %dma_wait3A_32 = arith.constant 0 : i32
        %dma_wait3A_33 = arith.constant 0 : i32
        %dma_wait3A_34 = tpu.memref_slice %arg2[%dma_wait3A_32, %dma_wait3A_33] : memref<10240x128xf32, #tpu.memory_space<hbm>> -> memref<10240x128xf32, #tpu.memory_space<hbm>>
        tpu.wait_indirect_dma semaphore(%arg11 : memref<!tpu.dma_semaphore, #tpu.memory_space<semaphore_mem>>) src(%dma_wait3A_34 : memref<10240x128xf32, #tpu.memory_space<hbm>>) dst(%arg9 : memref<128x128xf32, #tpu.memory_space<vmem>>)
        "tpu.region"() ({
          %run_scoped3A = tpu.sem_alloc : memref<!tpu.dma_semaphore, #tpu.memory_space<semaphore_mem>>
          %dma_start3A_35 = arith.constant 0 : i32
          %dma_start3A_36 = tpu.memref_slice %arg8[%scan3A_24, %dma_start3A_35] : memref<100x128xi32, #tpu.memory_space<vmem>> -> memref<1x128xi32, #tpu.memory_space<vmem>>
          %dma_start3A_37 = tpu.memref_squeeze %dma_start3A_36 : memref<1x128xi32, #tpu.memory_space<vmem>> -> memref<128xi32, #tpu.memory_space<vmem>>
          %dma_start3A_38 = arith.constant 0 : i32
          %dma_start3A_39 = arith.constant 0 : i32
          %dma_start3A_40 = tpu.memref_slice %arg10[%dma_start3A_38, %dma_start3A_39] : memref<10240x128xf32, #tpu.memory_space<vmem_shared>> -> memref<10240x128xf32, #tpu.memory_space<vmem_shared>>
          tpu.enqueue_indirect_dma source(%arg9 : memref<128x128xf32, #tpu.memory_space<vmem>>) target(%dma_start3A_40 : memref<10240x128xf32, #tpu.memory_space<vmem_shared>>) offsets(%dma_start3A_37 : memref<128xi32, #tpu.memory_space<vmem>>) semaphore(%run_scoped3A : memref<!tpu.dma_semaphore, #tpu.memory_space<semaphore_mem>>) {add = true}
          %dma_wait3A_41 = arith.constant 0 : i32
          %dma_wait3A_42 = tpu.memref_slice %arg8[%scan3A_24, %dma_wait3A_41] : memref<100x128xi32, #tpu.memory_space<vmem>> -> memref<1x128xi32, #tpu.memory_space<vmem>>
          %dma_wait3A_43 = tpu.memref_squeeze %dma_wait3A_42 : memref<1x128xi32, #tpu.memory_space<vmem>> -> memref<128xi32, #tpu.memory_space<vmem>>
          %dma_wait3A_44 = arith.constant 0 : i32
          %dma_wait3A_45 = arith.constant 0 : i32
          %dma_wait3A_46 = tpu.memref_slice %arg10[%dma_wait3A_44, %dma_wait3A_45] : memref<10240x128xf32, #tpu.memory_space<vmem_shared>> -> memref<10240x128xf32, #tpu.memory_space<vmem_shared>>
          tpu.wait_indirect_dma semaphore(%run_scoped3A : memref<!tpu.dma_semaphore, #tpu.memory_space<semaphore_mem>>) src(%arg9 : memref<128x128xf32, #tpu.memory_space<vmem>>) dst(%dma_wait3A_46 : memref<10240x128xf32, #tpu.memory_space<vmem_shared>>)
          tpu.yield
        }) : () -> ()
      }
      %scan3A_23 = arith.constant 57 : i32
    } else {
    }
    %barrier3A_11 = arith.constant 0 : index
    tpu.barrier barrier_id(%barrier3A_11)
    %mul3A_12 = arith.constant 10240 : i32
    %mul3A_13 = arith.muli %arg0, %mul3A_12 : i32
    %mul3A_14 = arith.constant 640 : i32
    %mul3A_15 = arith.muli %arg1, %mul3A_14 : i32
    %add3A_16 = arith.addi %mul3A_13, %mul3A_15 : i32
    %mul3A_17 = arith.constant 640 : i32
    %mul3A_18 = arith.muli %arg1, %mul3A_17 : i32
    "tpu.region"() ({
      %run_scoped3A = tpu.sem_alloc : memref<!tpu.dma_semaphore, #tpu.memory_space<semaphore_mem>>
      %dma_start3A = arith.constant 0 : i32
      %dma_start3A_19 = tpu.memref_slice %arg6[%add3A_16, %dma_start3A] : memref<20480x128xf32, #tpu.memory_space<hbm>> -> memref<640x128xf32, #tpu.memory_space<hbm>>
      %dma_start3A_20 = arith.constant 0 : i32
      %dma_start3A_21 = tpu.memref_slice %arg10[%mul3A_18, %dma_start3A_20] : memref<10240x128xf32, #tpu.memory_space<vmem_shared>> -> memref<640x128xf32, #tpu.memory_space<vmem_shared>>
      tpu.enqueue_dma source(%dma_start3A_21 : memref<640x128xf32, #tpu.memory_space<vmem_shared>>) target(%dma_start3A_19 : memref<640x128xf32, #tpu.memory_space<hbm>>) target_semaphore(%run_scoped3A : memref<!tpu.dma_semaphore, #tpu.memory_space<semaphore_mem>>)
      %dma_wait3A = arith.constant 0 : i32
      %dma_wait3A_22 = tpu.memref_slice %arg6[%add3A_16, %dma_wait3A] : memref<20480x128xf32, #tpu.memory_space<hbm>> -> memref<640x128xf32, #tpu.memory_space<hbm>>
      %dma_wait3A_23 = arith.constant 0 : i32
      %dma_wait3A_24 = tpu.memref_slice %arg10[%mul3A_18, %dma_wait3A_23] : memref<10240x128xf32, #tpu.memory_space<vmem_shared>> -> memref<640x128xf32, #tpu.memory_space<vmem_shared>>
      tpu.wait_dma2 semaphore(%run_scoped3A : memref<!tpu.dma_semaphore, #tpu.memory_space<semaphore_mem>>) src(%dma_wait3A_24 : memref<640x128xf32, #tpu.memory_space<vmem_shared>>) dst(%dma_wait3A_22 : memref<640x128xf32, #tpu.memory_space<hbm>>)
      tpu.yield
    }) : () -> ()
    return
  }
}

#map = affine_map<(d0, d1) -> (0, 0)>
#map1 = affine_map<(d0, d1) -> (0, 0, 0)>
module attributes {stable_mosaic.version = 14 : i64} {
  func.func @_sc_agg(%arg0: i32, %arg1: i32, %arg2: memref<10240x128xf32, #tpu.memory_space<hbm>>, %arg3: memref<32x100x128xi32, #tpu.memory_space<hbm>>, %arg4: memref<32x100x128xi32, #tpu.memory_space<hbm>>, %arg5: memref<10240x128xf32, #tpu.memory_space<hbm>>, %arg6: memref<20480x128xf32, #tpu.memory_space<hbm>>, %arg7: memref<100x128xi32, #tpu.memory_space<vmem>>, %arg8: memref<100x128xi32, #tpu.memory_space<vmem>>, %arg9: memref<128x128xf32, #tpu.memory_space<vmem>>, %arg10: memref<10240x128xf32, #tpu.memory_space<vmem_shared>>, %arg11: memref<!tpu.dma_semaphore, #tpu.memory_space<semaphore_mem>>) attributes {dimension_semantics = [#tpu.dimension_semantics<core_parallel>, #tpu.dimension_semantics<subcore_parallel>], iteration_bounds = array<i64: 2, 16>, scalar_prefetch = 0 : i64, scratch_operands = 5 : i64, tpu.core_type = #tpu.core_type<sc_vector_subcore>, window_params = [{transform_indices = #map}, {transform_indices = #map1}, {transform_indices = #map1}, {transform_indices = #map}, {transform_indices = #map}]} {
    %mul3A = arith.constant 16 : i32
    %mul3A_0 = arith.muli %arg0, %mul3A : i32
    %add3A = arith.addi %mul3A_0, %arg1 : i32
    %mul3A_1 = arith.constant 640 : i32
    %mul3A_2 = arith.muli %arg1, %mul3A_1 : i32
    %mul3A_3 = arith.constant 640 : i32
    %mul3A_4 = arith.muli %arg1, %mul3A_3 : i32
    "tpu.region"() ({
      %run_scoped3A = tpu.sem_alloc : memref<!tpu.dma_semaphore, #tpu.memory_space<semaphore_mem>>
      %dma_start3A = arith.constant 0 : i32
      %dma_start3A_19 = tpu.memref_slice %arg10[%mul3A_4, %dma_start3A] : memref<10240x128xf32, #tpu.memory_space<vmem_shared>> -> memref<640x128xf32, #tpu.memory_space<vmem_shared>>
      %dma_start3A_20 = arith.constant 0 : i32
      %dma_start3A_21 = tpu.memref_slice %arg5[%mul3A_2, %dma_start3A_20] : memref<10240x128xf32, #tpu.memory_space<hbm>> -> memref<640x128xf32, #tpu.memory_space<hbm>>
      tpu.enqueue_dma source(%dma_start3A_21 : memref<640x128xf32, #tpu.memory_space<hbm>>) target(%dma_start3A_19 : memref<640x128xf32, #tpu.memory_space<vmem_shared>>) target_semaphore(%run_scoped3A : memref<!tpu.dma_semaphore, #tpu.memory_space<semaphore_mem>>)
      %dma_wait3A = arith.constant 0 : i32
      %dma_wait3A_22 = tpu.memref_slice %arg10[%mul3A_4, %dma_wait3A] : memref<10240x128xf32, #tpu.memory_space<vmem_shared>> -> memref<640x128xf32, #tpu.memory_space<vmem_shared>>
      %dma_wait3A_23 = arith.constant 0 : i32
      %dma_wait3A_24 = tpu.memref_slice %arg5[%mul3A_2, %dma_wait3A_23] : memref<10240x128xf32, #tpu.memory_space<hbm>> -> memref<640x128xf32, #tpu.memory_space<hbm>>
      tpu.wait_dma2 semaphore(%run_scoped3A : memref<!tpu.dma_semaphore, #tpu.memory_space<semaphore_mem>>) src(%dma_wait3A_24 : memref<640x128xf32, #tpu.memory_space<hbm>>) dst(%dma_wait3A_22 : memref<640x128xf32, #tpu.memory_space<vmem_shared>>)
      tpu.yield
    }) : () -> ()
    "tpu.region"() ({
      %run_scoped3A = tpu.sem_alloc : memref<!tpu.dma_semaphore, #tpu.memory_space<semaphore_mem>>
      %dma_start3A = arith.constant 0 : i32
      %dma_start3A_19 = arith.constant 0 : i32
      %dma_start3A_20 = tpu.memref_slice %arg3[%add3A, %dma_start3A, %dma_start3A_19] : memref<32x100x128xi32, #tpu.memory_space<hbm>> -> memref<1x100x128xi32, #tpu.memory_space<hbm>>
      %dma_start3A_21 = tpu.memref_squeeze %dma_start3A_20 : memref<1x100x128xi32, #tpu.memory_space<hbm>> -> memref<100x128xi32, #tpu.memory_space<hbm>>
      %dma_start3A_22 = arith.constant 0 : i32
      %dma_start3A_23 = arith.constant 0 : i32
      %dma_start3A_24 = tpu.memref_slice %arg3[%add3A, %dma_start3A_22, %dma_start3A_23] : memref<32x100x128xi32, #tpu.memory_space<hbm>> -> memref<1x100x128xi32, #tpu.memory_space<hbm>>
      %dma_start3A_25 = tpu.memref_squeeze %dma_start3A_24 : memref<1x100x128xi32, #tpu.memory_space<hbm>> -> memref<100x128xi32, #tpu.memory_space<hbm>>
      tpu.enqueue_dma source(%dma_start3A_25 : memref<100x128xi32, #tpu.memory_space<hbm>>) target(%arg7 : memref<100x128xi32, #tpu.memory_space<vmem>>) target_semaphore(%run_scoped3A : memref<!tpu.dma_semaphore, #tpu.memory_space<semaphore_mem>>)
      %dma_wait3A = arith.constant 0 : i32
      %dma_wait3A_26 = arith.constant 0 : i32
      %dma_wait3A_27 = tpu.memref_slice %arg3[%add3A, %dma_wait3A, %dma_wait3A_26] : memref<32x100x128xi32, #tpu.memory_space<hbm>> -> memref<1x100x128xi32, #tpu.memory_space<hbm>>
      %dma_wait3A_28 = tpu.memref_squeeze %dma_wait3A_27 : memref<1x100x128xi32, #tpu.memory_space<hbm>> -> memref<100x128xi32, #tpu.memory_space<hbm>>
      %dma_wait3A_29 = arith.constant 0 : i32
      %dma_wait3A_30 = arith.constant 0 : i32
      %dma_wait3A_31 = tpu.memref_slice %arg3[%add3A, %dma_wait3A_29, %dma_wait3A_30] : memref<32x100x128xi32, #tpu.memory_space<hbm>> -> memref<1x100x128xi32, #tpu.memory_space<hbm>>
      %dma_wait3A_32 = tpu.memref_squeeze %dma_wait3A_31 : memref<1x100x128xi32, #tpu.memory_space<hbm>> -> memref<100x128xi32, #tpu.memory_space<hbm>>
      tpu.wait_dma2 semaphore(%run_scoped3A : memref<!tpu.dma_semaphore, #tpu.memory_space<semaphore_mem>>) src(%dma_wait3A_32 : memref<100x128xi32, #tpu.memory_space<hbm>>) dst(%arg7 : memref<100x128xi32, #tpu.memory_space<vmem>>)
      tpu.yield
    }) : () -> ()
    "tpu.region"() ({
      %run_scoped3A = tpu.sem_alloc : memref<!tpu.dma_semaphore, #tpu.memory_space<semaphore_mem>>
      %dma_start3A = arith.constant 0 : i32
      %dma_start3A_19 = arith.constant 0 : i32
      %dma_start3A_20 = tpu.memref_slice %arg4[%add3A, %dma_start3A, %dma_start3A_19] : memref<32x100x128xi32, #tpu.memory_space<hbm>> -> memref<1x100x128xi32, #tpu.memory_space<hbm>>
      %dma_start3A_21 = tpu.memref_squeeze %dma_start3A_20 : memref<1x100x128xi32, #tpu.memory_space<hbm>> -> memref<100x128xi32, #tpu.memory_space<hbm>>
      %dma_start3A_22 = arith.constant 0 : i32
      %dma_start3A_23 = arith.constant 0 : i32
      %dma_start3A_24 = tpu.memref_slice %arg4[%add3A, %dma_start3A_22, %dma_start3A_23] : memref<32x100x128xi32, #tpu.memory_space<hbm>> -> memref<1x100x128xi32, #tpu.memory_space<hbm>>
      %dma_start3A_25 = tpu.memref_squeeze %dma_start3A_24 : memref<1x100x128xi32, #tpu.memory_space<hbm>> -> memref<100x128xi32, #tpu.memory_space<hbm>>
      tpu.enqueue_dma source(%dma_start3A_25 : memref<100x128xi32, #tpu.memory_space<hbm>>) target(%arg8 : memref<100x128xi32, #tpu.memory_space<vmem>>) target_semaphore(%run_scoped3A : memref<!tpu.dma_semaphore, #tpu.memory_space<semaphore_mem>>)
      %dma_wait3A = arith.constant 0 : i32
      %dma_wait3A_26 = arith.constant 0 : i32
      %dma_wait3A_27 = tpu.memref_slice %arg4[%add3A, %dma_wait3A, %dma_wait3A_26] : memref<32x100x128xi32, #tpu.memory_space<hbm>> -> memref<1x100x128xi32, #tpu.memory_space<hbm>>
      %dma_wait3A_28 = tpu.memref_squeeze %dma_wait3A_27 : memref<1x100x128xi32, #tpu.memory_space<hbm>> -> memref<100x128xi32, #tpu.memory_space<hbm>>
      %dma_wait3A_29 = arith.constant 0 : i32
      %dma_wait3A_30 = arith.constant 0 : i32
      %dma_wait3A_31 = tpu.memref_slice %arg4[%add3A, %dma_wait3A_29, %dma_wait3A_30] : memref<32x100x128xi32, #tpu.memory_space<hbm>> -> memref<1x100x128xi32, #tpu.memory_space<hbm>>
      %dma_wait3A_32 = tpu.memref_squeeze %dma_wait3A_31 : memref<1x100x128xi32, #tpu.memory_space<hbm>> -> memref<100x128xi32, #tpu.memory_space<hbm>>
      tpu.wait_dma2 semaphore(%run_scoped3A : memref<!tpu.dma_semaphore, #tpu.memory_space<semaphore_mem>>) src(%dma_wait3A_32 : memref<100x128xi32, #tpu.memory_space<hbm>>) dst(%arg8 : memref<100x128xi32, #tpu.memory_space<vmem>>)
      tpu.yield
    }) : () -> ()
    %barrier3A = arith.constant 0 : index
    tpu.barrier barrier_id(%barrier3A)
    %eq3A = arith.constant 0 : i32
    %eq3A_5 = arith.cmpi eq, %arg0, %eq3A : i32
    %convert_element_type3A = arith.extui %eq3A_5 : i1 to i32
    %cond3A = arith.constant 0 : i32
    %cond3A_6 = arith.cmpi ne, %convert_element_type3A, %cond3A : i32
    scf.if %cond3A_6 {
      %scan3A = arith.constant 0 : i32
      %scan3A_19 = arith.constant 0 : i32
      %scan3A_20 = arith.constant 100 : i32
      %scan3A_21 = arith.addi %scan3A_19, %scan3A_20 : i32
      %scan3A_22 = arith.constant 1 : i32
      scf.for %scan3A_24 = %scan3A_19 to %scan3A_21 step %scan3A_22  : i32 {
        %dma_start3A = arith.constant 0 : i32
        %dma_start3A_25 = tpu.memref_slice %arg7[%scan3A_24, %dma_start3A] : memref<100x128xi32, #tpu.memory_space<vmem>> -> memref<1x128xi32, #tpu.memory_space<vmem>>
        %dma_start3A_26 = tpu.memref_squeeze %dma_start3A_25 : memref<1x128xi32, #tpu.memory_space<vmem>> -> memref<128xi32, #tpu.memory_space<vmem>>
        %dma_start3A_27 = arith.constant 0 : i32
        %dma_start3A_28 = arith.constant 0 : i32
        %dma_start3A_29 = tpu.memref_slice %arg2[%dma_start3A_27, %dma_start3A_28] : memref<10240x128xf32, #tpu.memory_space<hbm>> -> memref<10240x128xf32, #tpu.memory_space<hbm>>
        tpu.enqueue_indirect_dma source(%dma_start3A_29 : memref<10240x128xf32, #tpu.memory_space<hbm>>) target(%arg9 : memref<128x128xf32, #tpu.memory_space<vmem>>) offsets(%dma_start3A_26 : memref<128xi32, #tpu.memory_space<vmem>>) semaphore(%arg11 : memref<!tpu.dma_semaphore, #tpu.memory_space<semaphore_mem>>)
        %dma_wait3A = arith.constant 0 : i32
        %dma_wait3A_30 = tpu.memref_slice %arg7[%scan3A_24, %dma_wait3A] : memref<100x128xi32, #tpu.memory_space<vmem>> -> memref<1x128xi32, #tpu.memory_space<vmem>>
        %dma_wait3A_31 = tpu.memref_squeeze %dma_wait3A_30 : memref<1x128xi32, #tpu.memory_space<vmem>> -> memref<128xi32, #tpu.memory_space<vmem>>
        %dma_wait3A_32 = arith.constant 0 : i32
        %dma_wait3A_33 = arith.constant 0 : i32
        %dma_wait3A_34 = tpu.memref_slice %arg2[%dma_wait3A_32, %dma_wait3A_33] : memref<10240x128xf32, #tpu.memory_space<hbm>> -> memref<10240x128xf32, #tpu.memory_space<hbm>>
        tpu.wait_indirect_dma semaphore(%arg11 : memref<!tpu.dma_semaphore, #tpu.memory_space<semaphore_mem>>) src(%dma_wait3A_34 : memref<10240x128xf32, #tpu.memory_space<hbm>>) dst(%arg9 : memref<128x128xf32, #tpu.memory_space<vmem>>)
        "tpu.region"() ({
          %run_scoped3A = tpu.sem_alloc : memref<!tpu.dma_semaphore, #tpu.memory_space<semaphore_mem>>
          %dma_start3A_35 = arith.constant 0 : i32
          %dma_start3A_36 = tpu.memref_slice %arg8[%scan3A_24, %dma_start3A_35] : memref<100x128xi32, #tpu.memory_space<vmem>> -> memref<1x128xi32, #tpu.memory_space<vmem>>
          %dma_start3A_37 = tpu.memref_squeeze %dma_start3A_36 : memref<1x128xi32, #tpu.memory_space<vmem>> -> memref<128xi32, #tpu.memory_space<vmem>>
          %dma_start3A_38 = arith.constant 0 : i32
          %dma_start3A_39 = arith.constant 0 : i32
          %dma_start3A_40 = tpu.memref_slice %arg10[%dma_start3A_38, %dma_start3A_39] : memref<10240x128xf32, #tpu.memory_space<vmem_shared>> -> memref<10240x128xf32, #tpu.memory_space<vmem_shared>>
          tpu.enqueue_indirect_dma source(%arg9 : memref<128x128xf32, #tpu.memory_space<vmem>>) target(%dma_start3A_40 : memref<10240x128xf32, #tpu.memory_space<vmem_shared>>) offsets(%dma_start3A_37 : memref<128xi32, #tpu.memory_space<vmem>>) semaphore(%run_scoped3A : memref<!tpu.dma_semaphore, #tpu.memory_space<semaphore_mem>>) {add = true}
          %dma_wait3A_41 = arith.constant 0 : i32
          %dma_wait3A_42 = tpu.memref_slice %arg8[%scan3A_24, %dma_wait3A_41] : memref<100x128xi32, #tpu.memory_space<vmem>> -> memref<1x128xi32, #tpu.memory_space<vmem>>
          %dma_wait3A_43 = tpu.memref_squeeze %dma_wait3A_42 : memref<1x128xi32, #tpu.memory_space<vmem>> -> memref<128xi32, #tpu.memory_space<vmem>>
          %dma_wait3A_44 = arith.constant 0 : i32
          %dma_wait3A_45 = arith.constant 0 : i32
          %dma_wait3A_46 = tpu.memref_slice %arg10[%dma_wait3A_44, %dma_wait3A_45] : memref<10240x128xf32, #tpu.memory_space<vmem_shared>> -> memref<10240x128xf32, #tpu.memory_space<vmem_shared>>
          tpu.wait_indirect_dma semaphore(%run_scoped3A : memref<!tpu.dma_semaphore, #tpu.memory_space<semaphore_mem>>) src(%arg9 : memref<128x128xf32, #tpu.memory_space<vmem>>) dst(%dma_wait3A_46 : memref<10240x128xf32, #tpu.memory_space<vmem_shared>>)
          tpu.yield
        }) : () -> ()
      }
      %scan3A_23 = arith.constant 100 : i32
    } else {
    }
    %ne3A = arith.constant 0 : i32
    %ne3A_7 = arith.cmpi ne, %arg0, %ne3A : i32
    %convert_element_type3A_8 = arith.extui %ne3A_7 : i1 to i32
    %cond3A_9 = arith.constant 0 : i32
    %cond3A_10 = arith.cmpi ne, %convert_element_type3A_8, %cond3A_9 : i32
    scf.if %cond3A_10 {
      %scan3A = arith.constant 0 : i32
      %scan3A_19 = arith.constant 0 : i32
      %scan3A_20 = arith.constant 57 : i32
      %scan3A_21 = arith.addi %scan3A_19, %scan3A_20 : i32
      %scan3A_22 = arith.constant 1 : i32
      scf.for %scan3A_24 = %scan3A_19 to %scan3A_21 step %scan3A_22  : i32 {
        %dma_start3A = arith.constant 0 : i32
        %dma_start3A_25 = tpu.memref_slice %arg7[%scan3A_24, %dma_start3A] : memref<100x128xi32, #tpu.memory_space<vmem>> -> memref<1x128xi32, #tpu.memory_space<vmem>>
        %dma_start3A_26 = tpu.memref_squeeze %dma_start3A_25 : memref<1x128xi32, #tpu.memory_space<vmem>> -> memref<128xi32, #tpu.memory_space<vmem>>
        %dma_start3A_27 = arith.constant 0 : i32
        %dma_start3A_28 = arith.constant 0 : i32
        %dma_start3A_29 = tpu.memref_slice %arg2[%dma_start3A_27, %dma_start3A_28] : memref<10240x128xf32, #tpu.memory_space<hbm>> -> memref<10240x128xf32, #tpu.memory_space<hbm>>
        tpu.enqueue_indirect_dma source(%dma_start3A_29 : memref<10240x128xf32, #tpu.memory_space<hbm>>) target(%arg9 : memref<128x128xf32, #tpu.memory_space<vmem>>) offsets(%dma_start3A_26 : memref<128xi32, #tpu.memory_space<vmem>>) semaphore(%arg11 : memref<!tpu.dma_semaphore, #tpu.memory_space<semaphore_mem>>)
        %dma_wait3A = arith.constant 0 : i32
        %dma_wait3A_30 = tpu.memref_slice %arg7[%scan3A_24, %dma_wait3A] : memref<100x128xi32, #tpu.memory_space<vmem>> -> memref<1x128xi32, #tpu.memory_space<vmem>>
        %dma_wait3A_31 = tpu.memref_squeeze %dma_wait3A_30 : memref<1x128xi32, #tpu.memory_space<vmem>> -> memref<128xi32, #tpu.memory_space<vmem>>
        %dma_wait3A_32 = arith.constant 0 : i32
        %dma_wait3A_33 = arith.constant 0 : i32
        %dma_wait3A_34 = tpu.memref_slice %arg2[%dma_wait3A_32, %dma_wait3A_33] : memref<10240x128xf32, #tpu.memory_space<hbm>> -> memref<10240x128xf32, #tpu.memory_space<hbm>>
        tpu.wait_indirect_dma semaphore(%arg11 : memref<!tpu.dma_semaphore, #tpu.memory_space<semaphore_mem>>) src(%dma_wait3A_34 : memref<10240x128xf32, #tpu.memory_space<hbm>>) dst(%arg9 : memref<128x128xf32, #tpu.memory_space<vmem>>)
        "tpu.region"() ({
          %run_scoped3A = tpu.sem_alloc : memref<!tpu.dma_semaphore, #tpu.memory_space<semaphore_mem>>
          %dma_start3A_35 = arith.constant 0 : i32
          %dma_start3A_36 = tpu.memref_slice %arg8[%scan3A_24, %dma_start3A_35] : memref<100x128xi32, #tpu.memory_space<vmem>> -> memref<1x128xi32, #tpu.memory_space<vmem>>
          %dma_start3A_37 = tpu.memref_squeeze %dma_start3A_36 : memref<1x128xi32, #tpu.memory_space<vmem>> -> memref<128xi32, #tpu.memory_space<vmem>>
          %dma_start3A_38 = arith.constant 0 : i32
          %dma_start3A_39 = arith.constant 0 : i32
          %dma_start3A_40 = tpu.memref_slice %arg10[%dma_start3A_38, %dma_start3A_39] : memref<10240x128xf32, #tpu.memory_space<vmem_shared>> -> memref<10240x128xf32, #tpu.memory_space<vmem_shared>>
          tpu.enqueue_indirect_dma source(%arg9 : memref<128x128xf32, #tpu.memory_space<vmem>>) target(%dma_start3A_40 : memref<10240x128xf32, #tpu.memory_space<vmem_shared>>) offsets(%dma_start3A_37 : memref<128xi32, #tpu.memory_space<vmem>>) semaphore(%run_scoped3A : memref<!tpu.dma_semaphore, #tpu.memory_space<semaphore_mem>>) {add = true}
          %dma_wait3A_41 = arith.constant 0 : i32
          %dma_wait3A_42 = tpu.memref_slice %arg8[%scan3A_24, %dma_wait3A_41] : memref<100x128xi32, #tpu.memory_space<vmem>> -> memref<1x128xi32, #tpu.memory_space<vmem>>
          %dma_wait3A_43 = tpu.memref_squeeze %dma_wait3A_42 : memref<1x128xi32, #tpu.memory_space<vmem>> -> memref<128xi32, #tpu.memory_space<vmem>>
          %dma_wait3A_44 = arith.constant 0 : i32
          %dma_wait3A_45 = arith.constant 0 : i32
          %dma_wait3A_46 = tpu.memref_slice %arg10[%dma_wait3A_44, %dma_wait3A_45] : memref<10240x128xf32, #tpu.memory_space<vmem_shared>> -> memref<10240x128xf32, #tpu.memory_space<vmem_shared>>
          tpu.wait_indirect_dma semaphore(%run_scoped3A : memref<!tpu.dma_semaphore, #tpu.memory_space<semaphore_mem>>) src(%arg9 : memref<128x128xf32, #tpu.memory_space<vmem>>) dst(%dma_wait3A_46 : memref<10240x128xf32, #tpu.memory_space<vmem_shared>>)
          tpu.yield
        }) : () -> ()
      }
      %scan3A_23 = arith.constant 57 : i32
    } else {
    }
    %barrier3A_11 = arith.constant 0 : index
    tpu.barrier barrier_id(%barrier3A_11)
    %mul3A_12 = arith.constant 10240 : i32
    %mul3A_13 = arith.muli %arg0, %mul3A_12 : i32
    %mul3A_14 = arith.constant 640 : i32
    %mul3A_15 = arith.muli %arg1, %mul3A_14 : i32
    %add3A_16 = arith.addi %mul3A_13, %mul3A_15 : i32
    %mul3A_17 = arith.constant 640 : i32
    %mul3A_18 = arith.muli %arg1, %mul3A_17 : i32
    "tpu.region"() ({
      %run_scoped3A = tpu.sem_alloc : memref<!tpu.dma_semaphore, #tpu.memory_space<semaphore_mem>>
      %dma_start3A = arith.constant 0 : i32
      %dma_start3A_19 = tpu.memref_slice %arg6[%add3A_16, %dma_start3A] : memref<20480x128xf32, #tpu.memory_space<hbm>> -> memref<640x128xf32, #tpu.memory_space<hbm>>
      %dma_start3A_20 = arith.constant 0 : i32
      %dma_start3A_21 = tpu.memref_slice %arg10[%mul3A_18, %dma_start3A_20] : memref<10240x128xf32, #tpu.memory_space<vmem_shared>> -> memref<640x128xf32, #tpu.memory_space<vmem_shared>>
      tpu.enqueue_dma source(%dma_start3A_21 : memref<640x128xf32, #tpu.memory_space<vmem_shared>>) target(%dma_start3A_19 : memref<640x128xf32, #tpu.memory_space<hbm>>) target_semaphore(%run_scoped3A : memref<!tpu.dma_semaphore, #tpu.memory_space<semaphore_mem>>)
      %dma_wait3A = arith.constant 0 : i32
      %dma_wait3A_22 = tpu.memref_slice %arg6[%add3A_16, %dma_wait3A] : memref<20480x128xf32, #tpu.memory_space<hbm>> -> memref<640x128xf32, #tpu.memory_space<hbm>>
      %dma_wait3A_23 = arith.constant 0 : i32
      %dma_wait3A_24 = tpu.memref_slice %arg10[%mul3A_18, %dma_wait3A_23] : memref<10240x128xf32, #tpu.memory_space<vmem_shared>> -> memref<640x128xf32, #tpu.memory_space<vmem_shared>>
      tpu.wait_dma2 semaphore(%run_scoped3A : memref<!tpu.dma_semaphore, #tpu.memory_space<semaphore_mem>>) src(%dma_wait3A_24 : memref<640x128xf32, #tpu.memory_space<vmem_shared>>) dst(%dma_wait3A_22 : memref<640x128xf32, #tpu.memory_space<hbm>>)
      tpu.yield
    }) : () -> ()
    return
  }
}

#map = affine_map<(d0, d1) -> (0, 0)>
#map1 = affine_map<(d0, d1) -> (0, 0, 0)>
module attributes {stable_mosaic.version = 14 : i64} {
  func.func @_sc_agg(%arg0: i32, %arg1: i32, %arg2: memref<10240x128xf32, #tpu.memory_space<hbm>>, %arg3: memref<32x100x128xi32, #tpu.memory_space<hbm>>, %arg4: memref<32x100x128xi32, #tpu.memory_space<hbm>>, %arg5: memref<10240x128xf32, #tpu.memory_space<hbm>>, %arg6: memref<20480x128xf32, #tpu.memory_space<hbm>>, %arg7: memref<100x128xi32, #tpu.memory_space<vmem>>, %arg8: memref<100x128xi32, #tpu.memory_space<vmem>>, %arg9: memref<128x128xf32, #tpu.memory_space<vmem>>, %arg10: memref<10240x128xf32, #tpu.memory_space<vmem_shared>>, %arg11: memref<!tpu.dma_semaphore, #tpu.memory_space<semaphore_mem>>) attributes {dimension_semantics = [#tpu.dimension_semantics<core_parallel>, #tpu.dimension_semantics<subcore_parallel>], iteration_bounds = array<i64: 2, 16>, scalar_prefetch = 0 : i64, scratch_operands = 5 : i64, tpu.core_type = #tpu.core_type<sc_vector_subcore>, window_params = [{transform_indices = #map}, {transform_indices = #map1}, {transform_indices = #map1}, {transform_indices = #map}, {transform_indices = #map}]} {
    %mul3A = arith.constant 16 : i32
    %mul3A_0 = arith.muli %arg0, %mul3A : i32
    %add3A = arith.addi %mul3A_0, %arg1 : i32
    %mul3A_1 = arith.constant 640 : i32
    %mul3A_2 = arith.muli %arg1, %mul3A_1 : i32
    %mul3A_3 = arith.constant 640 : i32
    %mul3A_4 = arith.muli %arg1, %mul3A_3 : i32
    "tpu.region"() ({
      %run_scoped3A = tpu.sem_alloc : memref<!tpu.dma_semaphore, #tpu.memory_space<semaphore_mem>>
      %dma_start3A = arith.constant 0 : i32
      %dma_start3A_19 = tpu.memref_slice %arg10[%mul3A_4, %dma_start3A] : memref<10240x128xf32, #tpu.memory_space<vmem_shared>> -> memref<640x128xf32, #tpu.memory_space<vmem_shared>>
      %dma_start3A_20 = arith.constant 0 : i32
      %dma_start3A_21 = tpu.memref_slice %arg5[%mul3A_2, %dma_start3A_20] : memref<10240x128xf32, #tpu.memory_space<hbm>> -> memref<640x128xf32, #tpu.memory_space<hbm>>
      tpu.enqueue_dma source(%dma_start3A_21 : memref<640x128xf32, #tpu.memory_space<hbm>>) target(%dma_start3A_19 : memref<640x128xf32, #tpu.memory_space<vmem_shared>>) target_semaphore(%run_scoped3A : memref<!tpu.dma_semaphore, #tpu.memory_space<semaphore_mem>>)
      %dma_wait3A = arith.constant 0 : i32
      %dma_wait3A_22 = tpu.memref_slice %arg10[%mul3A_4, %dma_wait3A] : memref<10240x128xf32, #tpu.memory_space<vmem_shared>> -> memref<640x128xf32, #tpu.memory_space<vmem_shared>>
      %dma_wait3A_23 = arith.constant 0 : i32
      %dma_wait3A_24 = tpu.memref_slice %arg5[%mul3A_2, %dma_wait3A_23] : memref<10240x128xf32, #tpu.memory_space<hbm>> -> memref<640x128xf32, #tpu.memory_space<hbm>>
      tpu.wait_dma2 semaphore(%run_scoped3A : memref<!tpu.dma_semaphore, #tpu.memory_space<semaphore_mem>>) src(%dma_wait3A_24 : memref<640x128xf32, #tpu.memory_space<hbm>>) dst(%dma_wait3A_22 : memref<640x128xf32, #tpu.memory_space<vmem_shared>>)
      tpu.yield
    }) : () -> ()
    "tpu.region"() ({
      %run_scoped3A = tpu.sem_alloc : memref<!tpu.dma_semaphore, #tpu.memory_space<semaphore_mem>>
      %dma_start3A = arith.constant 0 : i32
      %dma_start3A_19 = arith.constant 0 : i32
      %dma_start3A_20 = tpu.memref_slice %arg3[%add3A, %dma_start3A, %dma_start3A_19] : memref<32x100x128xi32, #tpu.memory_space<hbm>> -> memref<1x100x128xi32, #tpu.memory_space<hbm>>
      %dma_start3A_21 = tpu.memref_squeeze %dma_start3A_20 : memref<1x100x128xi32, #tpu.memory_space<hbm>> -> memref<100x128xi32, #tpu.memory_space<hbm>>
      %dma_start3A_22 = arith.constant 0 : i32
      %dma_start3A_23 = arith.constant 0 : i32
      %dma_start3A_24 = tpu.memref_slice %arg3[%add3A, %dma_start3A_22, %dma_start3A_23] : memref<32x100x128xi32, #tpu.memory_space<hbm>> -> memref<1x100x128xi32, #tpu.memory_space<hbm>>
      %dma_start3A_25 = tpu.memref_squeeze %dma_start3A_24 : memref<1x100x128xi32, #tpu.memory_space<hbm>> -> memref<100x128xi32, #tpu.memory_space<hbm>>
      tpu.enqueue_dma source(%dma_start3A_25 : memref<100x128xi32, #tpu.memory_space<hbm>>) target(%arg7 : memref<100x128xi32, #tpu.memory_space<vmem>>) target_semaphore(%run_scoped3A : memref<!tpu.dma_semaphore, #tpu.memory_space<semaphore_mem>>)
      %dma_wait3A = arith.constant 0 : i32
      %dma_wait3A_26 = arith.constant 0 : i32
      %dma_wait3A_27 = tpu.memref_slice %arg3[%add3A, %dma_wait3A, %dma_wait3A_26] : memref<32x100x128xi32, #tpu.memory_space<hbm>> -> memref<1x100x128xi32, #tpu.memory_space<hbm>>
      %dma_wait3A_28 = tpu.memref_squeeze %dma_wait3A_27 : memref<1x100x128xi32, #tpu.memory_space<hbm>> -> memref<100x128xi32, #tpu.memory_space<hbm>>
      %dma_wait3A_29 = arith.constant 0 : i32
      %dma_wait3A_30 = arith.constant 0 : i32
      %dma_wait3A_31 = tpu.memref_slice %arg3[%add3A, %dma_wait3A_29, %dma_wait3A_30] : memref<32x100x128xi32, #tpu.memory_space<hbm>> -> memref<1x100x128xi32, #tpu.memory_space<hbm>>
      %dma_wait3A_32 = tpu.memref_squeeze %dma_wait3A_31 : memref<1x100x128xi32, #tpu.memory_space<hbm>> -> memref<100x128xi32, #tpu.memory_space<hbm>>
      tpu.wait_dma2 semaphore(%run_scoped3A : memref<!tpu.dma_semaphore, #tpu.memory_space<semaphore_mem>>) src(%dma_wait3A_32 : memref<100x128xi32, #tpu.memory_space<hbm>>) dst(%arg7 : memref<100x128xi32, #tpu.memory_space<vmem>>)
      tpu.yield
    }) : () -> ()
    "tpu.region"() ({
      %run_scoped3A = tpu.sem_alloc : memref<!tpu.dma_semaphore, #tpu.memory_space<semaphore_mem>>
      %dma_start3A = arith.constant 0 : i32
      %dma_start3A_19 = arith.constant 0 : i32
      %dma_start3A_20 = tpu.memref_slice %arg4[%add3A, %dma_start3A, %dma_start3A_19] : memref<32x100x128xi32, #tpu.memory_space<hbm>> -> memref<1x100x128xi32, #tpu.memory_space<hbm>>
      %dma_start3A_21 = tpu.memref_squeeze %dma_start3A_20 : memref<1x100x128xi32, #tpu.memory_space<hbm>> -> memref<100x128xi32, #tpu.memory_space<hbm>>
      %dma_start3A_22 = arith.constant 0 : i32
      %dma_start3A_23 = arith.constant 0 : i32
      %dma_start3A_24 = tpu.memref_slice %arg4[%add3A, %dma_start3A_22, %dma_start3A_23] : memref<32x100x128xi32, #tpu.memory_space<hbm>> -> memref<1x100x128xi32, #tpu.memory_space<hbm>>
      %dma_start3A_25 = tpu.memref_squeeze %dma_start3A_24 : memref<1x100x128xi32, #tpu.memory_space<hbm>> -> memref<100x128xi32, #tpu.memory_space<hbm>>
      tpu.enqueue_dma source(%dma_start3A_25 : memref<100x128xi32, #tpu.memory_space<hbm>>) target(%arg8 : memref<100x128xi32, #tpu.memory_space<vmem>>) target_semaphore(%run_scoped3A : memref<!tpu.dma_semaphore, #tpu.memory_space<semaphore_mem>>)
      %dma_wait3A = arith.constant 0 : i32
      %dma_wait3A_26 = arith.constant 0 : i32
      %dma_wait3A_27 = tpu.memref_slice %arg4[%add3A, %dma_wait3A, %dma_wait3A_26] : memref<32x100x128xi32, #tpu.memory_space<hbm>> -> memref<1x100x128xi32, #tpu.memory_space<hbm>>
      %dma_wait3A_28 = tpu.memref_squeeze %dma_wait3A_27 : memref<1x100x128xi32, #tpu.memory_space<hbm>> -> memref<100x128xi32, #tpu.memory_space<hbm>>
      %dma_wait3A_29 = arith.constant 0 : i32
      %dma_wait3A_30 = arith.constant 0 : i32
      %dma_wait3A_31 = tpu.memref_slice %arg4[%add3A, %dma_wait3A_29, %dma_wait3A_30] : memref<32x100x128xi32, #tpu.memory_space<hbm>> -> memref<1x100x128xi32, #tpu.memory_space<hbm>>
      %dma_wait3A_32 = tpu.memref_squeeze %dma_wait3A_31 : memref<1x100x128xi32, #tpu.memory_space<hbm>> -> memref<100x128xi32, #tpu.memory_space<hbm>>
      tpu.wait_dma2 semaphore(%run_scoped3A : memref<!tpu.dma_semaphore, #tpu.memory_space<semaphore_mem>>) src(%dma_wait3A_32 : memref<100x128xi32, #tpu.memory_space<hbm>>) dst(%arg8 : memref<100x128xi32, #tpu.memory_space<vmem>>)
      tpu.yield
    }) : () -> ()
    %barrier3A = arith.constant 0 : index
    tpu.barrier barrier_id(%barrier3A)
    %eq3A = arith.constant 0 : i32
    %eq3A_5 = arith.cmpi eq, %arg0, %eq3A : i32
    %convert_element_type3A = arith.extui %eq3A_5 : i1 to i32
    %cond3A = arith.constant 0 : i32
    %cond3A_6 = arith.cmpi ne, %convert_element_type3A, %cond3A : i32
    scf.if %cond3A_6 {
      %scan3A = arith.constant 0 : i32
      %scan3A_19 = arith.constant 0 : i32
      %scan3A_20 = arith.constant 100 : i32
      %scan3A_21 = arith.addi %scan3A_19, %scan3A_20 : i32
      %scan3A_22 = arith.constant 1 : i32
      scf.for %scan3A_24 = %scan3A_19 to %scan3A_21 step %scan3A_22  : i32 {
        %dma_start3A = arith.constant 0 : i32
        %dma_start3A_25 = tpu.memref_slice %arg7[%scan3A_24, %dma_start3A] : memref<100x128xi32, #tpu.memory_space<vmem>> -> memref<1x128xi32, #tpu.memory_space<vmem>>
        %dma_start3A_26 = tpu.memref_squeeze %dma_start3A_25 : memref<1x128xi32, #tpu.memory_space<vmem>> -> memref<128xi32, #tpu.memory_space<vmem>>
        %dma_start3A_27 = arith.constant 0 : i32
        %dma_start3A_28 = arith.constant 0 : i32
        %dma_start3A_29 = tpu.memref_slice %arg2[%dma_start3A_27, %dma_start3A_28] : memref<10240x128xf32, #tpu.memory_space<hbm>> -> memref<10240x128xf32, #tpu.memory_space<hbm>>
        tpu.enqueue_indirect_dma source(%dma_start3A_29 : memref<10240x128xf32, #tpu.memory_space<hbm>>) target(%arg9 : memref<128x128xf32, #tpu.memory_space<vmem>>) offsets(%dma_start3A_26 : memref<128xi32, #tpu.memory_space<vmem>>) semaphore(%arg11 : memref<!tpu.dma_semaphore, #tpu.memory_space<semaphore_mem>>)
        %dma_wait3A = arith.constant 0 : i32
        %dma_wait3A_30 = tpu.memref_slice %arg7[%scan3A_24, %dma_wait3A] : memref<100x128xi32, #tpu.memory_space<vmem>> -> memref<1x128xi32, #tpu.memory_space<vmem>>
        %dma_wait3A_31 = tpu.memref_squeeze %dma_wait3A_30 : memref<1x128xi32, #tpu.memory_space<vmem>> -> memref<128xi32, #tpu.memory_space<vmem>>
        %dma_wait3A_32 = arith.constant 0 : i32
        %dma_wait3A_33 = arith.constant 0 : i32
        %dma_wait3A_34 = tpu.memref_slice %arg2[%dma_wait3A_32, %dma_wait3A_33] : memref<10240x128xf32, #tpu.memory_space<hbm>> -> memref<10240x128xf32, #tpu.memory_space<hbm>>
        tpu.wait_indirect_dma semaphore(%arg11 : memref<!tpu.dma_semaphore, #tpu.memory_space<semaphore_mem>>) src(%dma_wait3A_34 : memref<10240x128xf32, #tpu.memory_space<hbm>>) dst(%arg9 : memref<128x128xf32, #tpu.memory_space<vmem>>)
        "tpu.region"() ({
          %run_scoped3A = tpu.sem_alloc : memref<!tpu.dma_semaphore, #tpu.memory_space<semaphore_mem>>
          %dma_start3A_35 = arith.constant 0 : i32
          %dma_start3A_36 = tpu.memref_slice %arg8[%scan3A_24, %dma_start3A_35] : memref<100x128xi32, #tpu.memory_space<vmem>> -> memref<1x128xi32, #tpu.memory_space<vmem>>
          %dma_start3A_37 = tpu.memref_squeeze %dma_start3A_36 : memref<1x128xi32, #tpu.memory_space<vmem>> -> memref<128xi32, #tpu.memory_space<vmem>>
          %dma_start3A_38 = arith.constant 0 : i32
          %dma_start3A_39 = arith.constant 0 : i32
          %dma_start3A_40 = tpu.memref_slice %arg10[%dma_start3A_38, %dma_start3A_39] : memref<10240x128xf32, #tpu.memory_space<vmem_shared>> -> memref<10240x128xf32, #tpu.memory_space<vmem_shared>>
          tpu.enqueue_indirect_dma source(%arg9 : memref<128x128xf32, #tpu.memory_space<vmem>>) target(%dma_start3A_40 : memref<10240x128xf32, #tpu.memory_space<vmem_shared>>) offsets(%dma_start3A_37 : memref<128xi32, #tpu.memory_space<vmem>>) semaphore(%run_scoped3A : memref<!tpu.dma_semaphore, #tpu.memory_space<semaphore_mem>>) {add = true}
          %dma_wait3A_41 = arith.constant 0 : i32
          %dma_wait3A_42 = tpu.memref_slice %arg8[%scan3A_24, %dma_wait3A_41] : memref<100x128xi32, #tpu.memory_space<vmem>> -> memref<1x128xi32, #tpu.memory_space<vmem>>
          %dma_wait3A_43 = tpu.memref_squeeze %dma_wait3A_42 : memref<1x128xi32, #tpu.memory_space<vmem>> -> memref<128xi32, #tpu.memory_space<vmem>>
          %dma_wait3A_44 = arith.constant 0 : i32
          %dma_wait3A_45 = arith.constant 0 : i32
          %dma_wait3A_46 = tpu.memref_slice %arg10[%dma_wait3A_44, %dma_wait3A_45] : memref<10240x128xf32, #tpu.memory_space<vmem_shared>> -> memref<10240x128xf32, #tpu.memory_space<vmem_shared>>
          tpu.wait_indirect_dma semaphore(%run_scoped3A : memref<!tpu.dma_semaphore, #tpu.memory_space<semaphore_mem>>) src(%arg9 : memref<128x128xf32, #tpu.memory_space<vmem>>) dst(%dma_wait3A_46 : memref<10240x128xf32, #tpu.memory_space<vmem_shared>>)
          tpu.yield
        }) : () -> ()
      }
      %scan3A_23 = arith.constant 100 : i32
    } else {
    }
    %ne3A = arith.constant 0 : i32
    %ne3A_7 = arith.cmpi ne, %arg0, %ne3A : i32
    %convert_element_type3A_8 = arith.extui %ne3A_7 : i1 to i32
    %cond3A_9 = arith.constant 0 : i32
    %cond3A_10 = arith.cmpi ne, %convert_element_type3A_8, %cond3A_9 : i32
    scf.if %cond3A_10 {
      %scan3A = arith.constant 0 : i32
      %scan3A_19 = arith.constant 0 : i32
      %scan3A_20 = arith.constant 57 : i32
      %scan3A_21 = arith.addi %scan3A_19, %scan3A_20 : i32
      %scan3A_22 = arith.constant 1 : i32
      scf.for %scan3A_24 = %scan3A_19 to %scan3A_21 step %scan3A_22  : i32 {
        %dma_start3A = arith.constant 0 : i32
        %dma_start3A_25 = tpu.memref_slice %arg7[%scan3A_24, %dma_start3A] : memref<100x128xi32, #tpu.memory_space<vmem>> -> memref<1x128xi32, #tpu.memory_space<vmem>>
        %dma_start3A_26 = tpu.memref_squeeze %dma_start3A_25 : memref<1x128xi32, #tpu.memory_space<vmem>> -> memref<128xi32, #tpu.memory_space<vmem>>
        %dma_start3A_27 = arith.constant 0 : i32
        %dma_start3A_28 = arith.constant 0 : i32
        %dma_start3A_29 = tpu.memref_slice %arg2[%dma_start3A_27, %dma_start3A_28] : memref<10240x128xf32, #tpu.memory_space<hbm>> -> memref<10240x128xf32, #tpu.memory_space<hbm>>
        tpu.enqueue_indirect_dma source(%dma_start3A_29 : memref<10240x128xf32, #tpu.memory_space<hbm>>) target(%arg9 : memref<128x128xf32, #tpu.memory_space<vmem>>) offsets(%dma_start3A_26 : memref<128xi32, #tpu.memory_space<vmem>>) semaphore(%arg11 : memref<!tpu.dma_semaphore, #tpu.memory_space<semaphore_mem>>)
        %dma_wait3A = arith.constant 0 : i32
        %dma_wait3A_30 = tpu.memref_slice %arg7[%scan3A_24, %dma_wait3A] : memref<100x128xi32, #tpu.memory_space<vmem>> -> memref<1x128xi32, #tpu.memory_space<vmem>>
        %dma_wait3A_31 = tpu.memref_squeeze %dma_wait3A_30 : memref<1x128xi32, #tpu.memory_space<vmem>> -> memref<128xi32, #tpu.memory_space<vmem>>
        %dma_wait3A_32 = arith.constant 0 : i32
        %dma_wait3A_33 = arith.constant 0 : i32
        %dma_wait3A_34 = tpu.memref_slice %arg2[%dma_wait3A_32, %dma_wait3A_33] : memref<10240x128xf32, #tpu.memory_space<hbm>> -> memref<10240x128xf32, #tpu.memory_space<hbm>>
        tpu.wait_indirect_dma semaphore(%arg11 : memref<!tpu.dma_semaphore, #tpu.memory_space<semaphore_mem>>) src(%dma_wait3A_34 : memref<10240x128xf32, #tpu.memory_space<hbm>>) dst(%arg9 : memref<128x128xf32, #tpu.memory_space<vmem>>)
        "tpu.region"() ({
          %run_scoped3A = tpu.sem_alloc : memref<!tpu.dma_semaphore, #tpu.memory_space<semaphore_mem>>
          %dma_start3A_35 = arith.constant 0 : i32
          %dma_start3A_36 = tpu.memref_slice %arg8[%scan3A_24, %dma_start3A_35] : memref<100x128xi32, #tpu.memory_space<vmem>> -> memref<1x128xi32, #tpu.memory_space<vmem>>
          %dma_start3A_37 = tpu.memref_squeeze %dma_start3A_36 : memref<1x128xi32, #tpu.memory_space<vmem>> -> memref<128xi32, #tpu.memory_space<vmem>>
          %dma_start3A_38 = arith.constant 0 : i32
          %dma_start3A_39 = arith.constant 0 : i32
          %dma_start3A_40 = tpu.memref_slice %arg10[%dma_start3A_38, %dma_start3A_39] : memref<10240x128xf32, #tpu.memory_space<vmem_shared>> -> memref<10240x128xf32, #tpu.memory_space<vmem_shared>>
          tpu.enqueue_indirect_dma source(%arg9 : memref<128x128xf32, #tpu.memory_space<vmem>>) target(%dma_start3A_40 : memref<10240x128xf32, #tpu.memory_space<vmem_shared>>) offsets(%dma_start3A_37 : memref<128xi32, #tpu.memory_space<vmem>>) semaphore(%run_scoped3A : memref<!tpu.dma_semaphore, #tpu.memory_space<semaphore_mem>>) {add = true}
          %dma_wait3A_41 = arith.constant 0 : i32
          %dma_wait3A_42 = tpu.memref_slice %arg8[%scan3A_24, %dma_wait3A_41] : memref<100x128xi32, #tpu.memory_space<vmem>> -> memref<1x128xi32, #tpu.memory_space<vmem>>
          %dma_wait3A_43 = tpu.memref_squeeze %dma_wait3A_42 : memref<1x128xi32, #tpu.memory_space<vmem>> -> memref<128xi32, #tpu.memory_space<vmem>>
          %dma_wait3A_44 = arith.constant 0 : i32
          %dma_wait3A_45 = arith.constant 0 : i32
          %dma_wait3A_46 = tpu.memref_slice %arg10[%dma_wait3A_44, %dma_wait3A_45] : memref<10240x128xf32, #tpu.memory_space<vmem_shared>> -> memref<10240x128xf32, #tpu.memory_space<vmem_shared>>
          tpu.wait_indirect_dma semaphore(%run_scoped3A : memref<!tpu.dma_semaphore, #tpu.memory_space<semaphore_mem>>) src(%arg9 : memref<128x128xf32, #tpu.memory_space<vmem>>) dst(%dma_wait3A_46 : memref<10240x128xf32, #tpu.memory_space<vmem_shared>>)
          tpu.yield
        }) : () -> ()
      }
      %scan3A_23 = arith.constant 57 : i32
    } else {
    }
    %barrier3A_11 = arith.constant 0 : index
    tpu.barrier barrier_id(%barrier3A_11)
    %mul3A_12 = arith.constant 10240 : i32
    %mul3A_13 = arith.muli %arg0, %mul3A_12 : i32
    %mul3A_14 = arith.constant 640 : i32
    %mul3A_15 = arith.muli %arg1, %mul3A_14 : i32
    %add3A_16 = arith.addi %mul3A_13, %mul3A_15 : i32
    %mul3A_17 = arith.constant 640 : i32
    %mul3A_18 = arith.muli %arg1, %mul3A_17 : i32
    "tpu.region"() ({
      %run_scoped3A = tpu.sem_alloc : memref<!tpu.dma_semaphore, #tpu.memory_space<semaphore_mem>>
      %dma_start3A = arith.constant 0 : i32
      %dma_start3A_19 = tpu.memref_slice %arg6[%add3A_16, %dma_start3A] : memref<20480x128xf32, #tpu.memory_space<hbm>> -> memref<640x128xf32, #tpu.memory_space<hbm>>
      %dma_start3A_20 = arith.constant 0 : i32
      %dma_start3A_21 = tpu.memref_slice %arg10[%mul3A_18, %dma_start3A_20] : memref<10240x128xf32, #tpu.memory_space<vmem_shared>> -> memref<640x128xf32, #tpu.memory_space<vmem_shared>>
      tpu.enqueue_dma source(%dma_start3A_21 : memref<640x128xf32, #tpu.memory_space<vmem_shared>>) target(%dma_start3A_19 : memref<640x128xf32, #tpu.memory_space<hbm>>) target_semaphore(%run_scoped3A : memref<!tpu.dma_semaphore, #tpu.memory_space<semaphore_mem>>)
      %dma_wait3A = arith.constant 0 : i32
      %dma_wait3A_22 = tpu.memref_slice %arg6[%add3A_16, %dma_wait3A] : memref<20480x128xf32, #tpu.memory_space<hbm>> -> memref<640x128xf32, #tpu.memory_space<hbm>>
      %dma_wait3A_23 = arith.constant 0 : i32
      %dma_wait3A_24 = tpu.memref_slice %arg10[%mul3A_18, %dma_wait3A_23] : memref<10240x128xf32, #tpu.memory_space<vmem_shared>> -> memref<640x128xf32, #tpu.memory_space<vmem_shared>>
      tpu.wait_dma2 semaphore(%run_scoped3A : memref<!tpu.dma_semaphore, #tpu.memory_space<semaphore_mem>>) src(%dma_wait3A_24 : memref<640x128xf32, #tpu.memory_space<vmem_shared>>) dst(%dma_wait3A_22 : memref<640x128xf32, #tpu.memory_space<hbm>>)
      tpu.yield
    }) : () -> ()
    return
  }
}

module attributes {stable_mosaic.version = 14 : i64} {
  func.func @_pre_body(%arg0: i32, %arg1: memref<512x128xf32, #tpu.memory_space<vmem>>, %arg2: memref<128x128xf32, #tpu.memory_space<vmem>>, %arg3: memref<2x512x8xf32, #tpu.memory_space<vmem>>, %arg4: memref<512x128xf32, #tpu.memory_space<vmem>>) attributes {dimension_semantics = [#tpu.dimension_semantics<arbitrary>], iteration_bounds = array<i64: 20>, scalar_prefetch = 0 : i64, scratch_operands = 0 : i64, tpu.core_type = #tpu.core_type<tc>, window_params = [{transform_indices = @transform_0, window_bounds = array<i64: 512, 128>}, {pipeline_mode = #tpu.pipeline_mode<synchronous>, transform_indices = @transform_1, window_bounds = array<i64: 128, 128>}, {transform_indices = @transform_2, window_bounds = array<i64: 2, 512, 8>}, {transform_indices = @transform_3, window_bounds = array<i64: 512, 128>}]} {
    %get3A = arith.constant 0 : index
    %get3A_0 = arith.constant 0 : index
    %get3A_1 = arith.constant 0 : index
    %get3A_2 = vector.load %arg3[%get3A, %get3A_0, %get3A_1] : memref<2x512x8xf32, #tpu.memory_space<vmem>>, vector<1x512x1xf32>
    %get3A_3 = vector.shape_cast %get3A_2 : vector<1x512x1xf32> to vector<512x1xf32>
    %get3A_4 = arith.constant 1 : index
    %get3A_5 = arith.constant 0 : index
    %get3A_6 = arith.constant 0 : index
    %get3A_7 = vector.load %arg3[%get3A_4, %get3A_5, %get3A_6] : memref<2x512x8xf32, #tpu.memory_space<vmem>>, vector<1x512x1xf32>
    %get3A_8 = vector.shape_cast %get3A_7 : vector<1x512x1xf32> to vector<512x1xf32>
    %add3A = arith.addf %get3A_3, %get3A_8 : vector<512x1xf32>
    %add3A_9 = arith.constant 1.000000e+00 : f32
    %add3A_10 = vector.broadcast %add3A_9 : f32 to vector<512x1xf32>
    %add3A_11 = arith.addf %add3A, %add3A_10 : vector<512x1xf32>
    %rsqrt3A = math.rsqrt %add3A_11 : vector<512x1xf32>
    %get3A_12 = arith.constant 0 : index
    %get3A_13 = arith.constant 0 : index
    %get3A_14 = vector.load %arg1[%get3A_12, %get3A_13] : memref<512x128xf32, #tpu.memory_space<vmem>>, vector<512x128xf32>
    %get3A_15 = arith.constant 0 : index
    %get3A_16 = arith.constant 0 : index
    %get3A_17 = vector.load %arg2[%get3A_15, %get3A_16] : memref<128x128xf32, #tpu.memory_space<vmem>>, vector<128x128xf32>
    %dot_general3A = arith.constant dense<0.000000e+00> : vector<512x128xf32>
    %dot_general3A_18 = tpu.matmul %get3A_14, %get3A_17, %dot_general3A {dimension_numbers = #tpu.dot_dimension_numbers<[1], [0], [0], [1], [0, 0, 1, 1], [], []>, transpose_lhs_hint = false} : vector<512x128xf32>, vector<128x128xf32>, vector<512x128xf32> -> vector<512x128xf32>
    %mul3A = vector.broadcast %rsqrt3A : vector<512x1xf32> to vector<512x128xf32>
    %mul3A_19 = arith.mulf %dot_general3A_18, %mul3A : vector<512x128xf32>
    %swap3A = arith.constant 0 : index
    %swap3A_20 = arith.constant 0 : index
    %swap3A_21 = vector.load %arg4[%swap3A, %swap3A_20] : memref<512x128xf32, #tpu.memory_space<vmem>>, vector<512x128xf32>
    tpu.vector_store %arg4[%swap3A, %swap3A_20], %mul3A_19 {strides = array<i32>} : memref<512x128xf32, #tpu.memory_space<vmem>>, vector<512x128xf32>,
    return
  }
  func.func @transform_0(%arg0: i32) -> (i32, i32) {
    %c0_i32 = arith.constant 0 : i32
    %c0_i32_0 = arith.constant 0 : i32
    return %arg0, %c0_i32 : i32, i32
  }
  func.func @transform_1(%arg0: i32) -> (i32, i32) {
    %c0_i32 = arith.constant 0 : i32
    %c0_i32_0 = arith.constant 0 : i32
    %c0_i32_1 = arith.constant 0 : i32
    return %c0_i32, %c0_i32_0 : i32, i32
  }
  func.func @transform_2(%arg0: i32) -> (i32, i32, i32) {
    %c0_i32 = arith.constant 0 : i32
    %c0_i32_0 = arith.constant 0 : i32
    %c0_i32_1 = arith.constant 0 : i32
    return %c0_i32, %arg0, %c0_i32_0 : i32, i32, i32
  }
  func.func @transform_3(%arg0: i32) -> (i32, i32) {
    %c0_i32 = arith.constant 0 : i32
    %c0_i32_0 = arith.constant 0 : i32
    return %arg0, %c0_i32 : i32, i32
  }
}

module attributes {stable_mosaic.version = 14 : i64} {
  func.func @_mid_body(%arg0: i32, %arg1: memref<2x512x128xf32, #tpu.memory_space<vmem>>, %arg2: memref<512x128xf32, #tpu.memory_space<vmem>>, %arg3: memref<2x512x8xf32, #tpu.memory_space<vmem>>, %arg4: memref<128x128xf32, #tpu.memory_space<vmem>>, %arg5: memref<1x128xf32, #tpu.memory_space<vmem>>, %arg6: memref<512x128xf32, #tpu.memory_space<vmem>>) attributes {dimension_semantics = [#tpu.dimension_semantics<arbitrary>], iteration_bounds = array<i64: 20>, scalar_prefetch = 0 : i64, scratch_operands = 0 : i64, tpu.core_type = #tpu.core_type<tc>, window_params = [{transform_indices = @transform_0, window_bounds = array<i64: 2, 512, 128>}, {transform_indices = @transform_1, window_bounds = array<i64: 512, 128>}, {transform_indices = @transform_2, window_bounds = array<i64: 2, 512, 8>}, {pipeline_mode = #tpu.pipeline_mode<synchronous>, transform_indices = @transform_3, window_bounds = array<i64: 128, 128>}, {pipeline_mode = #tpu.pipeline_mode<synchronous>, transform_indices = @transform_4, window_bounds = array<i64: 1, 128>}, {transform_indices = @transform_5, window_bounds = array<i64: 512, 128>}]} {
    %get3A = arith.constant 0 : index
    %get3A_0 = arith.constant 0 : index
    %get3A_1 = arith.constant 0 : index
    %get3A_2 = vector.load %arg3[%get3A, %get3A_0, %get3A_1] : memref<2x512x8xf32, #tpu.memory_space<vmem>>, vector<1x512x1xf32>
    %get3A_3 = vector.shape_cast %get3A_2 : vector<1x512x1xf32> to vector<512x1xf32>
    %get3A_4 = arith.constant 1 : index
    %get3A_5 = arith.constant 0 : index
    %get3A_6 = arith.constant 0 : index
    %get3A_7 = vector.load %arg3[%get3A_4, %get3A_5, %get3A_6] : memref<2x512x8xf32, #tpu.memory_space<vmem>>, vector<1x512x1xf32>
    %get3A_8 = vector.shape_cast %get3A_7 : vector<1x512x1xf32> to vector<512x1xf32>
    %add3A = arith.addf %get3A_3, %get3A_8 : vector<512x1xf32>
    %add3A_9 = arith.constant 1.000000e+00 : f32
    %add3A_10 = vector.broadcast %add3A_9 : f32 to vector<512x1xf32>
    %add3A_11 = arith.addf %add3A, %add3A_10 : vector<512x1xf32>
    %rsqrt3A = math.rsqrt %add3A_11 : vector<512x1xf32>
    %get3A_12 = arith.constant 0 : index
    %get3A_13 = arith.constant 0 : index
    %get3A_14 = arith.constant 0 : index
    %get3A_15 = vector.load %arg1[%get3A_12, %get3A_13, %get3A_14] : memref<2x512x128xf32, #tpu.memory_space<vmem>>, vector<1x512x128xf32>
    %get3A_16 = vector.shape_cast %get3A_15 : vector<1x512x128xf32> to vector<512x128xf32>
    %get3A_17 = arith.constant 1 : index
    %get3A_18 = arith.constant 0 : index
    %get3A_19 = arith.constant 0 : index
    %get3A_20 = vector.load %arg1[%get3A_17, %get3A_18, %get3A_19] : memref<2x512x128xf32, #tpu.memory_space<vmem>>, vector<1x512x128xf32>
    %get3A_21 = vector.shape_cast %get3A_20 : vector<1x512x128xf32> to vector<512x128xf32>
    %add3A_22 = arith.addf %get3A_16, %get3A_21 : vector<512x128xf32>
    %get3A_23 = arith.constant 0 : index
    %get3A_24 = arith.constant 0 : index
    %get3A_25 = vector.load %arg2[%get3A_23, %get3A_24] : memref<512x128xf32, #tpu.memory_space<vmem>>, vector<512x128xf32>
    %add3A_26 = arith.addf %add3A_22, %get3A_25 : vector<512x128xf32>
    %mul3A = vector.broadcast %rsqrt3A : vector<512x1xf32> to vector<512x128xf32>
    %mul3A_27 = arith.mulf %add3A_26, %mul3A : vector<512x128xf32>
    %get3A_28 = arith.constant 0 : index
    %get3A_29 = arith.constant 0 : index
    %get3A_30 = vector.load %arg5[%get3A_28, %get3A_29] : memref<1x128xf32, #tpu.memory_space<vmem>>, vector<1x128xf32>
    %add3A_31 = vector.broadcast %get3A_30 : vector<1x128xf32> to vector<512x128xf32>
    %add3A_32 = arith.addf %mul3A_27, %add3A_31 : vector<512x128xf32>
    %max3A = arith.constant 0.000000e+00 : f32
    %max3A_33 = vector.broadcast %max3A : f32 to vector<512x128xf32>
    %max3A_34 = arith.maximumf %add3A_32, %max3A_33 : vector<512x128xf32>
    %mul3A_35 = arith.mulf %max3A_34, %max3A_34 : vector<512x128xf32>
    %reduce_sum3A = arith.constant dense<0.000000e+00> : vector<512xf32>
    %reduce_sum3A_36 = vector.multi_reduction <add>, %mul3A_35, %reduce_sum3A [1] : vector<512x128xf32> to vector<512xf32>
    %broadcast_in_dim3A = vector.shape_cast %reduce_sum3A_36 : vector<512xf32> to vector<512x1xf32>
    %sqrt3A = math.sqrt %broadcast_in_dim3A : vector<512x1xf32>
    %jit3A = arith.constant 9.99999996E-13 : f32
    %max3A_37 = vector.broadcast %jit3A : f32 to vector<512x1xf32>
    %max3A_38 = arith.maximumf %max3A_37, %sqrt3A : vector<512x1xf32>
    %div3A = vector.broadcast %max3A_38 : vector<512x1xf32> to vector<512x128xf32>
    %div3A_39 = arith.divf %max3A_34, %div3A : vector<512x128xf32>
    %get3A_40 = arith.constant 0 : index
    %get3A_41 = arith.constant 0 : index
    %get3A_42 = vector.load %arg4[%get3A_40, %get3A_41] : memref<128x128xf32, #tpu.memory_space<vmem>>, vector<128x128xf32>
    %dot_general3A = arith.constant dense<0.000000e+00> : vector<512x128xf32>
    %dot_general3A_43 = tpu.matmul %div3A_39, %get3A_42, %dot_general3A {dimension_numbers = #tpu.dot_dimension_numbers<[1], [0], [0], [1], [0, 0, 1, 1], [], []>, transpose_lhs_hint = false} : vector<512x128xf32>, vector<128x128xf32>, vector<512x128xf32> -> vector<512x128xf32>
    %mul3A_44 = vector.broadcast %rsqrt3A : vector<512x1xf32> to vector<512x128xf32>
    %mul3A_45 = arith.mulf %dot_general3A_43, %mul3A_44 : vector<512x128xf32>
    %swap3A = arith.constant 0 : index
    %swap3A_46 = arith.constant 0 : index
    %swap3A_47 = vector.load %arg6[%swap3A, %swap3A_46] : memref<512x128xf32, #tpu.memory_space<vmem>>, vector<512x128xf32>
    tpu.vector_store %arg6[%swap3A, %swap3A_46], %mul3A_45 {strides = array<i32>} : memref<512x128xf32, #tpu.memory_space<vmem>>, vector<512x128xf32>,
    return
  }
  func.func @transform_0(%arg0: i32) -> (i32, i32, i32) {
    %c0_i32 = arith.constant 0 : i32
    %c0_i32_0 = arith.constant 0 : i32
    %c0_i32_1 = arith.constant 0 : i32
    return %c0_i32, %arg0, %c0_i32_0 : i32, i32, i32
  }
  func.func @transform_1(%arg0: i32) -> (i32, i32) {
    %c0_i32 = arith.constant 0 : i32
    %c0_i32_0 = arith.constant 0 : i32
    return %arg0, %c0_i32 : i32, i32
  }
  func.func @transform_2(%arg0: i32) -> (i32, i32, i32) {
    %c0_i32 = arith.constant 0 : i32
    %c0_i32_0 = arith.constant 0 : i32
    %c0_i32_1 = arith.constant 0 : i32
    return %c0_i32, %arg0, %c0_i32_0 : i32, i32, i32
  }
  func.func @transform_3(%arg0: i32) -> (i32, i32) {
    %c0_i32 = arith.constant 0 : i32
    %c0_i32_0 = arith.constant 0 : i32
    %c0_i32_1 = arith.constant 0 : i32
    return %c0_i32, %c0_i32_0 : i32, i32
  }
  func.func @transform_4(%arg0: i32) -> (i32, i32) {
    %c0_i32 = arith.constant 0 : i32
    %c0_i32_0 = arith.constant 0 : i32
    %c0_i32_1 = arith.constant 0 : i32
    return %c0_i32, %c0_i32_0 : i32, i32
  }
  func.func @transform_5(%arg0: i32) -> (i32, i32) {
    %c0_i32 = arith.constant 0 : i32
    %c0_i32_0 = arith.constant 0 : i32
    return %arg0, %c0_i32 : i32, i32
  }
}

module attributes {stable_mosaic.version = 14 : i64} {
  func.func @_fin_body(%arg0: i32, %arg1: memref<2x512x128xf32, #tpu.memory_space<vmem>>, %arg2: memref<512x128xf32, #tpu.memory_space<vmem>>, %arg3: memref<2x512x8xf32, #tpu.memory_space<vmem>>, %arg4: memref<1x128xf32, #tpu.memory_space<vmem>>, %arg5: memref<512x128xf32, #tpu.memory_space<vmem>>) attributes {dimension_semantics = [#tpu.dimension_semantics<arbitrary>], iteration_bounds = array<i64: 20>, scalar_prefetch = 0 : i64, scratch_operands = 0 : i64, tpu.core_type = #tpu.core_type<tc>, window_params = [{transform_indices = @transform_0, window_bounds = array<i64: 2, 512, 128>}, {transform_indices = @transform_1, window_bounds = array<i64: 512, 128>}, {transform_indices = @transform_2, window_bounds = array<i64: 2, 512, 8>}, {pipeline_mode = #tpu.pipeline_mode<synchronous>, transform_indices = @transform_3, window_bounds = array<i64: 1, 128>}, {transform_indices = @transform_4, window_bounds = array<i64: 512, 128>}]} {
    %get3A = arith.constant 0 : index
    %get3A_0 = arith.constant 0 : index
    %get3A_1 = arith.constant 0 : index
    %get3A_2 = vector.load %arg3[%get3A, %get3A_0, %get3A_1] : memref<2x512x8xf32, #tpu.memory_space<vmem>>, vector<1x512x1xf32>
    %get3A_3 = vector.shape_cast %get3A_2 : vector<1x512x1xf32> to vector<512x1xf32>
    %get3A_4 = arith.constant 1 : index
    %get3A_5 = arith.constant 0 : index
    %get3A_6 = arith.constant 0 : index
    %get3A_7 = vector.load %arg3[%get3A_4, %get3A_5, %get3A_6] : memref<2x512x8xf32, #tpu.memory_space<vmem>>, vector<1x512x1xf32>
    %get3A_8 = vector.shape_cast %get3A_7 : vector<1x512x1xf32> to vector<512x1xf32>
    %add3A = arith.addf %get3A_3, %get3A_8 : vector<512x1xf32>
    %add3A_9 = arith.constant 1.000000e+00 : f32
    %add3A_10 = vector.broadcast %add3A_9 : f32 to vector<512x1xf32>
    %add3A_11 = arith.addf %add3A, %add3A_10 : vector<512x1xf32>
    %rsqrt3A = math.rsqrt %add3A_11 : vector<512x1xf32>
    %get3A_12 = arith.constant 0 : index
    %get3A_13 = arith.constant 0 : index
    %get3A_14 = arith.constant 0 : index
    %get3A_15 = vector.load %arg1[%get3A_12, %get3A_13, %get3A_14] : memref<2x512x128xf32, #tpu.memory_space<vmem>>, vector<1x512x128xf32>
    %get3A_16 = vector.shape_cast %get3A_15 : vector<1x512x128xf32> to vector<512x128xf32>
    %get3A_17 = arith.constant 1 : index
    %get3A_18 = arith.constant 0 : index
    %get3A_19 = arith.constant 0 : index
    %get3A_20 = vector.load %arg1[%get3A_17, %get3A_18, %get3A_19] : memref<2x512x128xf32, #tpu.memory_space<vmem>>, vector<1x512x128xf32>
    %get3A_21 = vector.shape_cast %get3A_20 : vector<1x512x128xf32> to vector<512x128xf32>
    %add3A_22 = arith.addf %get3A_16, %get3A_21 : vector<512x128xf32>
    %get3A_23 = arith.constant 0 : index
    %get3A_24 = arith.constant 0 : index
    %get3A_25 = vector.load %arg2[%get3A_23, %get3A_24] : memref<512x128xf32, #tpu.memory_space<vmem>>, vector<512x128xf32>
    %add3A_26 = arith.addf %add3A_22, %get3A_25 : vector<512x128xf32>
    %mul3A = vector.broadcast %rsqrt3A : vector<512x1xf32> to vector<512x128xf32>
    %mul3A_27 = arith.mulf %add3A_26, %mul3A : vector<512x128xf32>
    %get3A_28 = arith.constant 0 : index
    %get3A_29 = arith.constant 0 : index
    %get3A_30 = vector.load %arg4[%get3A_28, %get3A_29] : memref<1x128xf32, #tpu.memory_space<vmem>>, vector<1x128xf32>
    %add3A_31 = vector.broadcast %get3A_30 : vector<1x128xf32> to vector<512x128xf32>
    %add3A_32 = arith.addf %mul3A_27, %add3A_31 : vector<512x128xf32>
    %swap3A = arith.constant 0 : index
    %swap3A_33 = arith.constant 0 : index
    %swap3A_34 = vector.load %arg5[%swap3A, %swap3A_33] : memref<512x128xf32, #tpu.memory_space<vmem>>, vector<512x128xf32>
    tpu.vector_store %arg5[%swap3A, %swap3A_33], %add3A_32 {strides = array<i32>} : memref<512x128xf32, #tpu.memory_space<vmem>>, vector<512x128xf32>,
    return
  }
  func.func @transform_0(%arg0: i32) -> (i32, i32, i32) {
    %c0_i32 = arith.constant 0 : i32
    %c0_i32_0 = arith.constant 0 : i32
    %c0_i32_1 = arith.constant 0 : i32
    return %c0_i32, %arg0, %c0_i32_0 : i32, i32, i32
  }
  func.func @transform_1(%arg0: i32) -> (i32, i32) {
    %c0_i32 = arith.constant 0 : i32
    %c0_i32_0 = arith.constant 0 : i32
    return %arg0, %c0_i32 : i32, i32
  }
  func.func @transform_2(%arg0: i32) -> (i32, i32, i32) {
    %c0_i32 = arith.constant 0 : i32
    %c0_i32_0 = arith.constant 0 : i32
    %c0_i32_1 = arith.constant 0 : i32
    return %c0_i32, %arg0, %c0_i32_0 : i32, i32, i32
  }
  func.func @transform_3(%arg0: i32) -> (i32, i32) {
    %c0_i32 = arith.constant 0 : i32
    %c0_i32_0 = arith.constant 0 : i32
    %c0_i32_1 = arith.constant 0 : i32
    return %c0_i32, %c0_i32_0 : i32, i32
  }
  func.func @transform_4(%arg0: i32) -> (i32, i32) {
    %c0_i32 = arith.constant 0 : i32
    %c0_i32_0 = arith.constant 0 : i32
    return %arg0, %c0_i32 : i32, i32
  }
}

</mosaic_0001>

<sc_bundles>
// kernel: kernel.10.cloned.1.call-start
scs
__scs_entry_jumppad:
0x0: {  	(pc) =	sbr.rel $0x88, $3  }
0x1: {  	(tag) =	ssettag $0x0;
	lr =	simm.s32 $0x1  }
0x2: {  	[smem:$0x3F99] =	sst lr;
	_ =	strace $0xD0000000  }
0x3: {  	_ = 	snop  }
0x4: {  	_ = 	snop  }
0x5: {  	_ = 	snop  }
0x6: {  	_ = 	snop  }
0x7: {  	_ = 	snop  }
__scs_overlays_trampoline_lowered:
0x8: {  	[smem:$0x3FA8] =	sst s0  }
0x9: {  	[smem:$0x3FA9] =	sst s1  }
0xa: {  	[smem:$0x3FAA] =	sst s2  }
0xb: {  	[smem:$0x3FAB] =	sst s3  }
0xc: {  	[smem:$0x3FAC] =	sst s4  }
0xd: {  	[smem:$0x3FAD] =	sst s5  }
0xe: {  	[smem:$0x3FAE] =	sst s6  }
0xf: {  	[smem:$0x3FAF] =	sst s7  }
0x10: {  	[smem:$0x3FB0] =	sst s8  }
0x11: {  	[smem:$0x3FB1] =	sst s9;
	s0 =	simm.s32 @!p0 $0x0  }
0x12: {  	s1 =	sld [smem:$0x3F97];
	s0 =	simm.s32 @p0 $0x1  }
0x13: {  	[smem:$0x3FB2] =	sst s0;
	s0 =	simm.s32 @!p1 $0x0  }
0x14: {  	s2 =	sld [smem:$0x3F96];
	s0 =	simm.s32 @p1 $0x1  }
0x15: {  	[smem:$0x3FB3] =	sst s0;
	s0 =	simm.s32 @!p2 $0x0  }
0x16: {  	s3 =	sld [smem:$0x3FDB];
	s0 =	simm.s32 @p2 $0x1  }
0x17: {  	s4 =	simm.s32 $0x1BF5;
	[smem:$0x3FB5] =	sst s0  }
0x18: {  	s0 =	sld [smem:$0x3F98];
	_ =	swait.ge [sflag:s4], $0x0  }
0x19: {  	s7 =	sld [smem:$0x3F99]  }
0x1a: {  	s8 =	sadd.s32 $0xFFFFE003, lr  }
0x1b: {  	s9 =	sadd.s32 $0xFFFFFEF7, lr;
	s5 =	simm.s32 $0xFFFFFFFF;
	p2 =	slt.u32 s8, $0xFFFFF086  }
0x1c: {  	p1 =	slt.u32 s9, $0xF7A;
	s5 =	simm.s32 @!p2 $0x0  }
0x1d: {  	s5 =	simm.s32 @p1 $0x1;
	p0 =	seq.s32 s7, s2  }
0x1e: {  	s7 =	smul.u32 @!p0 $0xF7A, s2;
	p2 =	seq.s32 @!p0 s5, $0x0  }
0x1f: {  	s9 =	smul.u32 $0xF7A, s1;
	s8 =	simm.s32 @!p0 $0x1BF5;
	p2 =	por !p2, p0  }
0x20: {  	[sflag:s8] =	ssyncset.s32 @!p0 $0xFFFFF086;
	s6 =	sadd.s32 @!p0 s3, s7;
	s7 =	simm.s32 @!p0 $0x108  }
0x21: {  	s3 =	sadd.s32 s3, s9;
	s6 =	sadd.s32 @!p0 $0x88, s6;
	s7 =	simm.s32 @p2 $0x1082  }
0x22: {  	[simem:s7], [sflag:s8] =	dma.local @!p0 [hbm:s6], $0xF7A  }
0x23: {  	s9 =	sor.u32 $0xD0000000, s2;
	s6 =	simm.s32 $0x108;
	_ =	swait.ge @!p0 [sflag:s8], $0x0  }
0x24: {  	s3 =	sadd.s32 $0x88, s3;
	s6 =	simm.s32 @!p1 $0x1082;
	[sflag:s4] =	ssyncset.s32 $0xFFFFF086  }
0x25: {  	[simem:s6], [sflag:s4] =	dma.local [hbm:s3], $0xF7A  }
0x26: {  	[smem:$0x3F99] =	sst s1;
	(tag) =	ssettag s2;
	_ =	strace s9  }
0x27: {  	s1 =	sld [smem:$0x3FA9]  }
0x28: {  	s2 =	sld [smem:$0x3FAA]  }
0x29: {  	s4 =	sld [smem:$0x3FAC]  }
0x2a: {  	p0 =	seq.s32 s5, $0x0;
	s5 =	sld [smem:$0x3FAD]  }
0x2b: {  	s6 =	sld [smem:$0x3FAE]  }
0x2c: {  	s7 =	sld [smem:$0x3FAF]  }
0x2d: {  	s3 =	simm.s32 $0x108;
	s8 =	sld [smem:$0x3FB0]  }
0x2e: {  	s3 =	simm.s32 @!p0 $0x1082;
	s9 =	sld [smem:$0x3FB1]  }
0x2f: {  	lr =	sadd.s32 s0, s3;
	s0 =	sld [smem:$0x3FA8]  }
0x30: {  	s3 =	sld [smem:$0x3FAB]  }
0x31: {  	[smem:$0x3FB4] =	sst s10  }
0x32: {  	s10 =	sld [smem:$0x3FB2];
	_ =	sdelay $0x3  }
0x33: {  	p0 =	seq.s32 s10, $0x1;
	s10 =	sld [smem:$0x3FB4];
	_ =	sdelay $0x3  }
0x34: {  	[smem:$0x3FB4] =	sst s10  }
0x35: {  	s10 =	sld [smem:$0x3FB3];
	_ =	sdelay $0x3  }
0x36: {  	p1 =	seq.s32 s10, $0x1;
	s10 =	sld [smem:$0x3FB4];
	_ =	sdelay $0x3  }
0x37: {  	[smem:$0x3FB4] =	sst s10  }
0x38: {  	s10 =	sld [smem:$0x3FB5]  }
0x39: {  	_ = 	snop;
	(pc) =	sbr.ind lr, $3  }
0x3a: {  	_ = 	snop  }
0x3b: {  	_ = 	snop  }
0x3c: {  	p2 =	seq.s32 s10, $0x1;
	s10 =	sld [smem:$0x3FB4]  }
0x3d: {  	_ =	shalt  }
0x3e: {  	_ =	shalt  }
0x3f: {  	_ =	shalt  }
0x40: {  	_ =	shalt  }
0x41: {  	_ =	shalt  }
0x42: {  	_ =	shalt  }
0x43: {  	_ =	shalt  }
0x44: {  	_ =	shalt  }
0x45: {  	_ =	shalt  }
0x46: {  	_ =	shalt  }
0x47: {  	_ =	shalt  }
0x48: {  	_ =	shalt  }
0x49: {  	_ =	shalt  }
0x4a: {  	_ =	shalt  }
0x4b: {  	_ =	shalt  }
0x4c: {  	_ =	shalt  }
0x4d: {  	_ =	shalt  }
0x4e: {  	_ =	shalt  }
0x4f: {  	_ =	shalt  }
0x50: {  	_ =	shalt  }
0x51: {  	_ =	shalt  }
0x52: {  	_ =	shalt  }
0x53: {  	_ =	shalt  }
0x54: {  	_ =	shalt  }
0x55: {  	_ =	shalt  }
0x56: {  	_ =	shalt  }
0x57: {  	_ =	shalt  }
0x58: {  	_ =	shalt  }
0x59: {  	_ =	shalt  }
0x5a: {  	_ =	shalt  }
0x5b: {  	_ =	shalt  }
0x5c: {  	_ =	shalt  }
0x5d: {  	_ =	shalt  }
0x5e: {  	_ =	shalt  }
0x5f: {  	_ =	shalt  }
0x60: {  	_ =	shalt  }
0x61: {  	_ =	shalt  }
0x62: {  	_ =	shalt  }
0x63: {  	_ =	shalt  }
0x64: {  	_ =	shalt  }
0x65: {  	_ =	shalt  }
0x66: {  	_ =	shalt  }
0x67: {  	_ =	shalt  }
0x68: {  	_ =	shalt  }
0x69: {  	_ =	shalt  }
0x6a: {  	_ =	shalt  }
0x6b: {  	_ =	shalt  }
0x6c: {  	_ =	shalt  }
0x6d: {  	_ =	shalt  }
0x6e: {  	_ =	shalt  }
0x6f: {  	_ =	shalt  }
0x70: {  	_ =	shalt  }
0x71: {  	_ =	shalt  }
0x72: {  	_ =	shalt  }
0x73: {  	_ =	shalt  }
0x74: {  	_ =	shalt  }
0x75: {  	_ =	shalt  }
0x76: {  	_ =	shalt  }
0x77: {  	_ =	shalt  }
0x78: {  	_ =	shalt  }
0x79: {  	_ =	shalt  }
0x7a: {  	_ =	shalt  }
0x7b: {  	_ =	shalt  }
0x7c: {  	_ =	shalt  }
0x7d: {  	_ =	shalt  }
0x7e: {  	_ =	shalt  }
0x7f: {  	_ =	shalt  }
0x80: {  	_ =	shalt  }
0x81: {  	_ =	shalt  }
0x82: {  	_ =	shalt  }
0x83: {  	_ =	shalt  }
0x84: {  	_ =	shalt  }
0x85: {  	_ =	shalt  }
0x86: {  	_ =	shalt  }
0x87: {  	_ =	shalt  }
.Lfunc_end0:
.L_simem_size_0:
called_computation_lowered:
.L_overlay_start_0:
0x88: {  	s2 =	sld [smem:$0x3FD9]  }
0x89: {  	s3 =	sld [smem:$0x3FFE];
	_ =	sdelay $0x1  }
0x8a: {  	s1 =	srdreg.scid  }
0x8b: {  	s0 =	sand.u32 $0x1, s1  }
0x8c: {  	s16 =	sshll.u32 s0, $0xA;
	s2 =	sadd.s32 s3, s2  }
0x8d: {  	s2 =	sadd.s32 s2, s16  }
0x8e: {  	[smem:$0x3FC0] =	sst s2  }
0x8f: {  	_ = 	snop  }
0x90: {  	(tm) =	ssettm $0x1  }
0x91: {  	s17 =	sld [smem:$0x3FFB];
	_ =	sdelay $0x3  }
0x92: {  	_ =	strace s17  }
0x93: {  	s2 =	sld [smem:$0x3FFC];
	_ =	sdelay $0x3  }
0x94: {  	_ =	strace s2  }
0x95: {  	s2 =	sld [smem:$0x3FFD];
	_ =	sdelay $0x3  }
0x96: {  	_ =	strace s2  }
0x97: {  	_ =	strace $0x8FFFFFFF  }
0x98: {  	s18 =	sld [smem:$0x3FDB];
	_ =	sdelay $0x1  }
0x99: {  	s19 =	simm.s32 $_scs_section_size  }
0x9a: {  	s4 =	simm.s32 $_size__tile_overlayer_lowered;
	s5 =	simm.s32 $_tile_overlayer_lowered  }
0x9b: {  	s22 =	simm.s32 $0x1BFF;
	s21 =	sshll.u32 s5, $0x1;
	s2 =	sadd.s32 s19, s18  }
0x9c: {  	s6 =	simm.s32 $0x0;
	s20 =	sshll.u32 s4, $0x1;
	s4 =	sadd.s32 s21, s2  }
0x9d: {  	[timem:s6], [sflag:s22] =	dma.local [hbm:s4], s20  }
0x9e: {  	_ =	swait.ge [sflag:s22], s20  }
0x9f: {  	s3 =	ssub.s32 $0x0, s20;
	[sflag:s22] =	ssyncset.done $0x0  }
0xa0: {  	[sflag:s22] =	ssyncadd.s32 s3;
	_ =	sdelay $0x1  }
0xa1: {  	s23 =	simm.s32 $0x1B8B  }
0xa2: {  	_ =	swait.ge [sflag:s23], $0x1  }
0xa3: {  	[sflag:s23] =	ssyncset.done $0x0  }
0xa4: {  	s25 =	simm.s32 $0x1B8E;
	s24 =	sld [smem:$0x3FFE];
	[sflag:s23] =	ssyncadd.s32 $0xFFFFFFFF  }
0xa5: {  	s26 =	simm.s32 $execute0_lowered;
	[smem:$0x3FD2] =	sst s25  }
0xa6: {  	s4 =	sshll.u32 s26, $0x1;
	_ =	strace $0x80000046;
	[dreg:$0x1] =	wrdreg $0xFFFFFFFF  }
0xa7: {  	s28 =	simm.s32 $_size_execute0_lowered;
	s2 =	sadd.s32 s2, s4;
	[dreg:$0x0] =	wrdreg $0x0  }
0xa8: {  	s4 =	sshll.u32 s28, $0x1;
	[dreg:$0x2] =	wrdreg s2  }
0xa9: {  	[dreg:$0x3] =	wrdreg s4  }
0xaa: {  	[dreg:$0x4] =	wrdreg $0xC0  }
0xab: {  	_ =	task [dreg:s6], $0x5FFFF  }
0xac: {  	[dreg:$0x1] =	wrdreg $0xFFFFFFFF  }
0xad: {  	[dreg:$0x0] =	wrdreg $0x60  }
0xae: {  	[dreg:$0x2] =	wrdreg s24  }
0xaf: {  	[dreg:$0x3] =	wrdreg $0x74000  }
0xb0: {  	[dreg:$0x4] =	wrdreg $0x9  }
0xb1: {  	_ =	task.clear_ibuf [dreg:s6], $0x5FFFF;
	_ =	strace $0x90000046  }
0xb2: {  	s29 =	simm.s32 $0x9;
	_ =	strace $0x80000048  }
0xb3: {  	_ =	swait.ge [sflag:s29], $0x1  }
0xb4: {  	[sflag:s29] =	ssyncadd.s32 $0xFFFFFFFF  }
0xb5: {  	_ =	strace $0x90000048  }
0xb6: {  	_ =	sfence  }
0xb7: {  	s30 =	sld [smem:$0x0];
	_ =	sdelay $0x2  }
0xb8: {  	s31 =	sshll.u32 s1, $0xD;
	s1 =	sshrl.u32 s1, $0x2  }
0xb9: {  	s3 =	sand.u32 $0x4000, s31;
	s1 =	sadd.s32 s1, s30  }
0xba: {  	s0 =	sor.u32 s3, s0;
	s1 =	sshll.u32 s1, $0x11  }
0xbb: {  	s0 =	sor.u32 s1, s0  }
0xbc: {  	s0 =	sadd.s32 $0x8F2B, s0  }
0xbd: {  	[sflag:s0] =	ssyncadd.remote.s32 $0x1  }
0xbe: {  	_ =	sfence.sel $0xFFFF  }
0xbf: {  	[dreg:$0x0] =	wrdreg $0xFFFFFFFF;
	(pc) =	sbr.abs _section_cstart, $3  }
0xc0: {  	[dreg:$0x1] =	wrdreg $0xFFFFFFFF  }
0xc1: {  	_ =	task.clear_ibuf [dreg:s6], $0x2FFFF;
	_ =	strace $0x9FFFFFFF  }
0xc2: {  	(tm) =	ssettm $0x7FFFFFFF  }
0xc3: {  	_ =	shalt  }
tec
execute0_lowered:
.L_overlay_start_1:
0x0: {  	(tag) =	ssettag $0x1  }
0x1: {  	s0 =	srdreg.scid;
	s5 =	rddreg [dreg:$0x0]  }
0x2: {  	s2 =	rddreg [dreg:$0x1];
	s10 =	sand.u32 $0x1, s0;
	s0 =	stileid.u32  }
0x3: {  	s3 =	simm.s32 $0x0;
	s13 =	simm.s32 $0x80;
	s6 =	smul.u32 $0x2800, s0  }
0x4: {  	s14 =	simm.s32 $0x0;
	[smem:$0x7FF] =	sst s3;
	s7 =	smul.u32 $0x28000, s10  }
0x5: {  	s1 =	sshll.u32 s10, $0x4;
	s9 =	ssub.s32 $0x2, s10;
	s11 =	smul.u32 $0x50000, s0  }
0x6: {  	s31 =	sshll.u32 s0, $0x6;
	p0 =	sne.s32 s10, $0x0;
	s1 =	sor.u32 s0, s1  }
0x7: {  	s29 =	sshrl.u32 s9, $0x1;
	s4 =	smul.u32 $0x680, s1;
	s1 =	rddreg [dreg:$0x2]  }
0x8: {  	_ =	strace $0x80000047;
	s7 =	sadd.s32 s6, s7;
	s6 =	sadd.s32 s6, s5  }
.Ltmp0:
0x9: {  	s9 =	ssub.s32 s9, s29;
	s30 =	sshrl.u32 s11, $0x2;
	(pc) =	sbr.rel .LBB2_1-.Ltmp0, $4  }
0xa: {  	s12 =	sadd.s32 s7, s5;
	s11 =	sadd.s32 s30, s2;
	s9 =	smax.u32 s9, $0x1  }
0xb: {  	s8 =	sadd.s32 s4, s5;
	s4 =	sadd.s32 $0x10000, s5;
	s5 =	sadd.s32 $0x10800, s6  }
0xc: {  	s6 =	sor.u32 $0x1C01, s31;
	s10 =	sshrl.u32 s11, $0x3;
	s11 =	simm.s32 $0x1  }
0xd: {  	s7 =	sadd.s32 $0x3000, s8;
	s8 =	sadd.s32 $0x38800, s12;
	s12 =	simm.s32 $0x3400  }
.LBB2_7:
0xe: {  	[sflag:s11] =	ssyncadd.s32 $0xFFFFC000  }
.LBB2_8:
0xf: {  	s14 =	sadd.s32 $0x1, s14  }
0x10: {  	p1 =	sne.s32 s14, s9  }
.Ltmp1:
0x11: {  	[bflag:$0x0] =	sbarrier.arrive $0xFFFF;
	(pc) =	sbr.rel @!p1 .LBB2_9-.Ltmp1, $4  }
0x12: {  	[hbm:s8], [sflag:s6] =	dma.local [spmem:s10], $0x2800  }
0x13: {  	_ =	swait.ge [sflag:s11], $0x2800  }
0x14: {  	[sflag:s11] =	ssyncset.done $0x0  }
0x15: {  	[sflag:s11] =	ssyncadd.s32 $0xFFFFD800  }
.LBB2_1:
0x16: {  	[spmem:s10], [sflag:s6] =	dma.local [hbm:s5], $0x2800  }
0x17: {  	_ =	swait.ge [sflag:s11], $0x2800  }
0x18: {  	[sflag:s11] =	ssyncset.done $0x0  }
0x19: {  	[sflag:s11] =	ssyncadd.s32 $0xFFFFD800  }
0x1a: {  	[tilespmem:s12], [sflag:$0x1] =	stream.linear.gather [hbm4b:s4+s3], $0x4000, $0x38;
	[tilespmem:$0x1B400] =	vst v63  }
0x1b: {  	_ =	swait.ge [sflag:s11], $0x4000  }
0x1c: {  	[sflag:s11] =	ssyncset.done $0x0  }
0x1d: {  	[sflag:s11] =	ssyncadd.s32 $0xFFFFC000  }
0x1e: {  	[tilespmem:s3], [sflag:$0x1] =	stream.linear.gather [hbm4b:s7+s3], $0x3200, $0x38;
	[tilespmem:$0x1B400] =	vst v63  }
.Ltmp2:
0x1f: {  	_ =	swait.ge [sflag:s11], $0x3200;
	(pc) =	sbr.rel @p0 .LBB2_5-.Ltmp2, $4  }
0x20: {  	[sflag:s11] =	ssyncset.done $0x0  }
0x21: {  	[sflag:s11] =	ssyncadd.s32 $0xFFFFCE00  }
0x22: {  	[bflag:$0x0] =	sbarrier.arrive $0xFFFF  }
0x23: {  	s15 =	sshra.s32 s3, $0x2  }
0x24: {  	[spmem:s2] =	stream.indirect.scatter.add.f32 [tilespmem:s12], [sflag:$0x1], $0x80, s15, s13, $0xb8;
	[tilespmem:$0x1B400] =	vst v63  }
0x25: {  	_ =	swait.ge [sflag:s11], $0x4000  }
0x26: {  	s15 =	sadd.s32 $0x200, s3;
	[sflag:s11] =	ssyncset.done $0x0  }
.LBB2_3:
0x27: {  	s16 =	sshra.s32 s15, $0x2;
	[sflag:s11] =	ssyncadd.s32 $0xFFFFC000;
	p1 =	seq.s32 s15, $0xC600  }
0x28: {  	[spmem:s2] =	stream.indirect.scatter.add.f32 [tilespmem:s12], [sflag:$0x1], $0x80, s16, s13, $0xb8;
	[tilespmem:$0x1B400] =	vst v63  }
.Ltmp3:
0x29: {  	_ = 	snop;
	(pc) =	sbr.rel @!p1 .LBB2_3-.Ltmp3, $4  }
0x2a: {  	_ = 	snop  }
0x2b: {  	s15 =	sadd.s32 $0x200, s15  }
0x2c: {  	_ =	swait.ge [sflag:s11], $0x4000  }
0x2d: {  	[sflag:s11] =	ssyncset.done $0x0  }
.Ltmp4:
0x2e: {  	(pc) =	sbr.rel .LBB2_8-.Ltmp4, $2  }
0x2f: {  	_ =	sdelay $0x2  }
0x30: {  	[sflag:s11] =	ssyncadd.s32 $0xFFFFC000  }
.LBB2_5:
0x31: {  	[spmem:s2] =	stream.indirect.scatter.add.f32 [tilespmem:s12], [sflag:$0x1], $0x80, s15, s13, $0xb8;
	[tilespmem:$0x1B400] =	vst v63  }
0x32: {  	_ =	swait.ge [sflag:s11], $0x4000  }
0x33: {  	s15 =	sadd.s32 $0x200, s3;
	[sflag:s11] =	ssyncset.done $0x0  }
.LBB2_6:
0x34: {  	s16 =	sshra.s32 s15, $0x2;
	[sflag:s11] =	ssyncadd.s32 $0xFFFFC000;
	p1 =	sne.s32 s15, $0x7000  }
0x35: {  	[spmem:s2] =	stream.indirect.scatter.add.f32 [tilespmem:s12], [sflag:$0x1], $0x80, s16, s13, $0xb8;
	[tilespmem:$0x1B400] =	vst v63  }
.Ltmp5:
0x36: {  	_ = 	snop;
	(pc) =	sbr.rel @p1 .LBB2_6-.Ltmp5, $4  }
0x37: {  	_ = 	snop  }
0x38: {  	s15 =	sadd.s32 $0x200, s15  }
0x39: {  	_ =	swait.ge [sflag:s11], $0x4000  }
0x3a: {  	[sflag:s11] =	ssyncset.done $0x0  }
.Ltmp6:
0x3b: {  	_ = 	snop;
	(pc) =	sbr.rel .LBB2_7-.Ltmp6, $1  }
0x3c: {  	_ =	sdelay $0x3  }
.LBB2_9:
0x3d: {  	_ =	sfence.sel $0x180000  }
0x3e: {  	[bflag:$0x0] =	sbarrier.arrive $0xFFFF  }
0x3f: {  	p0 =	sne.s32 s0, $0x0;
	_ =	strace $0x90000047  }
0x40: {  	s0 =	sadd.s32 @!p0 $0x100000, s1;
	[bflag:$0x2] =	sbarrier.arrive $0xFFFF  }
0x41: {  	[sflag:s0] =	ssyncadd.tile.s32 @!p0 $0x1;
	_ =	shalt  }
.Lfunc_end2:
_tile_overlayer_lowered:
.L_overlay_start_2:
0x42: {  	(tag) =	ssettag $0x2  }
0x43: {  	s0 =	rddreg [dreg:$0x0];
	s2 =	stileid.u32  }
0x44: {  	s1 =	rddreg [dreg:$0x1];
	p0 =	sne.s32 s2, $0x0  }
0x45: {  	s3 =	rddreg [dreg:$0x2];
	[bflag:$0x3] =	sbarrier.arrive $0xFFFF;
	s2 =	simm.s32 @!p0 $0x1C01  }
0x46: {  	[timem:s3], [sflag:s2] =	dma.local @!p0 [hbm:s0], s1  }
0x47: {  	s0 =	simm.s32 @!p0 $0x1  }
0x48: {  	_ =	swait.ge @!p0 [sflag:s0], s1  }
0x49: {  	s1 =	ssub.s32 @!p0 $0x0, s1;
	[sflag:s0] =	ssyncset.done @!p0 $0x0  }
0x4a: {  	[sflag:s0] =	ssyncadd.s32 @!p0 s1  }
0x4b: {  	[bflag:$0x3] =	sbarrier.arrive $0xFFFF  }
0x4c: {  	_ =	shalt  }

// kernel: kernel.13.cloned.1.call-start
scs
__scs_entry_jumppad:
0x0: {  	(pc) =	sbr.rel $0x88, $3  }
0x1: {  	(tag) =	ssettag $0x0;
	lr =	simm.s32 $0x1  }
0x2: {  	[smem:$0x3F99] =	sst lr;
	_ =	strace $0xD0000000  }
0x3: {  	_ = 	snop  }
0x4: {  	_ = 	snop  }
0x5: {  	_ = 	snop  }
0x6: {  	_ = 	snop  }
0x7: {  	_ = 	snop  }
__scs_overlays_trampoline_lowered:
0x8: {  	[smem:$0x3FA8] =	sst s0  }
0x9: {  	[smem:$0x3FA9] =	sst s1  }
0xa: {  	[smem:$0x3FAA] =	sst s2  }
0xb: {  	[smem:$0x3FAB] =	sst s3  }
0xc: {  	[smem:$0x3FAC] =	sst s4  }
0xd: {  	[smem:$0x3FAD] =	sst s5  }
0xe: {  	[smem:$0x3FAE] =	sst s6  }
0xf: {  	[smem:$0x3FAF] =	sst s7  }
0x10: {  	[smem:$0x3FB0] =	sst s8  }
0x11: {  	[smem:$0x3FB1] =	sst s9;
	s0 =	simm.s32 @!p0 $0x0  }
0x12: {  	s1 =	sld [smem:$0x3F97];
	s0 =	simm.s32 @p0 $0x1  }
0x13: {  	[smem:$0x3FB2] =	sst s0;
	s0 =	simm.s32 @!p1 $0x0  }
0x14: {  	s2 =	sld [smem:$0x3F96];
	s0 =	simm.s32 @p1 $0x1  }
0x15: {  	[smem:$0x3FB3] =	sst s0;
	s0 =	simm.s32 @!p2 $0x0  }
0x16: {  	s3 =	sld [smem:$0x3FDB];
	s0 =	simm.s32 @p2 $0x1  }
0x17: {  	s4 =	simm.s32 $0x1BF5;
	[smem:$0x3FB5] =	sst s0  }
0x18: {  	s0 =	sld [smem:$0x3F98];
	_ =	swait.ge [sflag:s4], $0x0  }
0x19: {  	s7 =	sld [smem:$0x3F99]  }
0x1a: {  	s8 =	sadd.s32 $0xFFFFE003, lr  }
0x1b: {  	s9 =	sadd.s32 $0xFFFFFEF7, lr;
	s5 =	simm.s32 $0xFFFFFFFF;
	p2 =	slt.u32 s8, $0xFFFFF086  }
0x1c: {  	p1 =	slt.u32 s9, $0xF7A;
	s5 =	simm.s32 @!p2 $0x0  }
0x1d: {  	s5 =	simm.s32 @p1 $0x1;
	p0 =	seq.s32 s7, s2  }
0x1e: {  	s7 =	smul.u32 @!p0 $0xF7A, s2;
	p2 =	seq.s32 @!p0 s5, $0x0  }
0x1f: {  	s9 =	smul.u32 $0xF7A, s1;
	s8 =	simm.s32 @!p0 $0x1BF5;
	p2 =	por !p2, p0  }
0x20: {  	[sflag:s8] =	ssyncset.s32 @!p0 $0xFFFFF086;
	s6 =	sadd.s32 @!p0 s3, s7;
	s7 =	simm.s32 @!p0 $0x108  }
0x21: {  	s3 =	sadd.s32 s3, s9;
	s6 =	sadd.s32 @!p0 $0x88, s6;
	s7 =	simm.s32 @p2 $0x1082  }
0x22: {  	[simem:s7], [sflag:s8] =	dma.local @!p0 [hbm:s6], $0xF7A  }
0x23: {  	s9 =	sor.u32 $0xD0000000, s2;
	s6 =	simm.s32 $0x108;
	_ =	swait.ge @!p0 [sflag:s8], $0x0  }
0x24: {  	s3 =	sadd.s32 $0x88, s3;
	s6 =	simm.s32 @!p1 $0x1082;
	[sflag:s4] =	ssyncset.s32 $0xFFFFF086  }
0x25: {  	[simem:s6], [sflag:s4] =	dma.local [hbm:s3], $0xF7A  }
0x26: {  	[smem:$0x3F99] =	sst s1;
	(tag) =	ssettag s2;
	_ =	strace s9  }
0x27: {  	s1 =	sld [smem:$0x3FA9]  }
0x28: {  	s2 =	sld [smem:$0x3FAA]  }
0x29: {  	s4 =	sld [smem:$0x3FAC]  }
0x2a: {  	p0 =	seq.s32 s5, $0x0;
	s5 =	sld [smem:$0x3FAD]  }
0x2b: {  	s6 =	sld [smem:$0x3FAE]  }
0x2c: {  	s7 =	sld [smem:$0x3FAF]  }
0x2d: {  	s3 =	simm.s32 $0x108;
	s8 =	sld [smem:$0x3FB0]  }
0x2e: {  	s3 =	simm.s32 @!p0 $0x1082;
	s9 =	sld [smem:$0x3FB1]  }
0x2f: {  	lr =	sadd.s32 s0, s3;
	s0 =	sld [smem:$0x3FA8]  }
0x30: {  	s3 =	sld [smem:$0x3FAB]  }
0x31: {  	[smem:$0x3FB4] =	sst s10  }
0x32: {  	s10 =	sld [smem:$0x3FB2];
	_ =	sdelay $0x3  }
0x33: {  	p0 =	seq.s32 s10, $0x1;
	s10 =	sld [smem:$0x3FB4];
	_ =	sdelay $0x3  }
0x34: {  	[smem:$0x3FB4] =	sst s10  }
0x35: {  	s10 =	sld [smem:$0x3FB3];
	_ =	sdelay $0x3  }
0x36: {  	p1 =	seq.s32 s10, $0x1;
	s10 =	sld [smem:$0x3FB4];
	_ =	sdelay $0x3  }
0x37: {  	[smem:$0x3FB4] =	sst s10  }
0x38: {  	s10 =	sld [smem:$0x3FB5]  }
0x39: {  	_ = 	snop;
	(pc) =	sbr.ind lr, $3  }
0x3a: {  	_ = 	snop  }
0x3b: {  	_ = 	snop  }
0x3c: {  	p2 =	seq.s32 s10, $0x1;
	s10 =	sld [smem:$0x3FB4]  }
0x3d: {  	_ =	shalt  }
0x3e: {  	_ =	shalt  }
0x3f: {  	_ =	shalt  }
0x40: {  	_ =	shalt  }
0x41: {  	_ =	shalt  }
0x42: {  	_ =	shalt  }
0x43: {  	_ =	shalt  }
0x44: {  	_ =	shalt  }
0x45: {  	_ =	shalt  }
0x46: {  	_ =	shalt  }
0x47: {  	_ =	shalt  }
0x48: {  	_ =	shalt  }
0x49: {  	_ =	shalt  }
0x4a: {  	_ =	shalt  }
0x4b: {  	_ =	shalt  }
0x4c: {  	_ =	shalt  }
0x4d: {  	_ =	shalt  }
0x4e: {  	_ =	shalt  }
0x4f: {  	_ =	shalt  }
0x50: {  	_ =	shalt  }
0x51: {  	_ =	shalt  }
0x52: {  	_ =	shalt  }
0x53: {  	_ =	shalt  }
0x54: {  	_ =	shalt  }
0x55: {  	_ =	shalt  }
0x56: {  	_ =	shalt  }
0x57: {  	_ =	shalt  }
0x58: {  	_ =	shalt  }
0x59: {  	_ =	shalt  }
0x5a: {  	_ =	shalt  }
0x5b: {  	_ =	shalt  }
0x5c: {  	_ =	shalt  }
0x5d: {  	_ =	shalt  }
0x5e: {  	_ =	shalt  }
0x5f: {  	_ =	shalt  }
0x60: {  	_ =	shalt  }
0x61: {  	_ =	shalt  }
0x62: {  	_ =	shalt  }
0x63: {  	_ =	shalt  }
0x64: {  	_ =	shalt  }
0x65: {  	_ =	shalt  }
0x66: {  	_ =	shalt  }
0x67: {  	_ =	shalt  }
0x68: {  	_ =	shalt  }
0x69: {  	_ =	shalt  }
0x6a: {  	_ =	shalt  }
0x6b: {  	_ =	shalt  }
0x6c: {  	_ =	shalt  }
0x6d: {  	_ =	shalt  }
0x6e: {  	_ =	shalt  }
0x6f: {  	_ =	shalt  }
0x70: {  	_ =	shalt  }
0x71: {  	_ =	shalt  }
0x72: {  	_ =	shalt  }
0x73: {  	_ =	shalt  }
0x74: {  	_ =	shalt  }
0x75: {  	_ =	shalt  }
0x76: {  	_ =	shalt  }
0x77: {  	_ =	shalt  }
0x78: {  	_ =	shalt  }
0x79: {  	_ =	shalt  }
0x7a: {  	_ =	shalt  }
0x7b: {  	_ =	shalt  }
0x7c: {  	_ =	shalt  }
0x7d: {  	_ =	shalt  }
0x7e: {  	_ =	shalt  }
0x7f: {  	_ =	shalt  }
0x80: {  	_ =	shalt  }
0x81: {  	_ =	shalt  }
0x82: {  	_ =	shalt  }
0x83: {  	_ =	shalt  }
0x84: {  	_ =	shalt  }
0x85: {  	_ =	shalt  }
0x86: {  	_ =	shalt  }
0x87: {  	_ =	shalt  }
.Lfunc_end0:
.L_simem_size_0:
called_computation.1_lowered:
.L_overlay_start_0:
0x88: {  	s2 =	sld [smem:$0x3FD9]  }
0x89: {  	s3 =	sld [smem:$0x3FFE];
	_ =	sdelay $0x1  }
0x8a: {  	s1 =	srdreg.scid  }
0x8b: {  	s0 =	sand.u32 $0x1, s1  }
0x8c: {  	s17 =	sshll.u32 s0, $0xA;
	s2 =	sadd.s32 s3, s2  }
0x8d: {  	s2 =	sadd.s32 s2, s17  }
0x8e: {  	[smem:$0x3FC0] =	sst s2  }
0x8f: {  	_ = 	snop  }
0x90: {  	s2 =	sld [smem:$0x3FD0];
	(tm) =	ssettm $0x1  }
0x91: {  	s18 =	sld [smem:$0x3FFB];
	_ =	sdelay $0x3  }
0x92: {  	_ =	strace s18  }
0x93: {  	s3 =	sld [smem:$0x3FFC];
	_ =	sdelay $0x3  }
0x94: {  	_ =	strace s3  }
0x95: {  	s3 =	sld [smem:$0x3FFD];
	_ =	sdelay $0x3  }
0x96: {  	_ =	strace s3  }
0x97: {  	_ =	strace $0x8FFFFFFF  }
0x98: {  	s19 =	sld [smem:$0x3FDB];
	_ =	sdelay $0x1  }
0x99: {  	s4 =	simm.s32 $_scs_section_size  }
0x9a: {  	s5 =	simm.s32 $_size__tile_overlayer_lowered;
	s6 =	simm.s32 $_tile_overlayer_lowered  }
0x9b: {  	s22 =	simm.s32 $0x1BFF;
	s21 =	sshll.u32 s6, $0x1;
	s3 =	sadd.s32 s4, s19  }
0x9c: {  	s7 =	simm.s32 $0x0;
	s20 =	sshll.u32 s5, $0x1;
	s5 =	sadd.s32 s21, s3  }
0x9d: {  	[timem:s7], [sflag:s22] =	dma.local [hbm:s5], s20  }
0x9e: {  	_ =	swait.ge [sflag:s22], s20  }
0x9f: {  	s4 =	ssub.s32 $0x0, s20;
	[sflag:s22] =	ssyncset.done $0x0  }
0xa0: {  	[sflag:s22] =	ssyncadd.s32 s4;
	_ =	sdelay $0x1  }
0xa1: {  	s23 =	simm.s32 $0x1B8B  }
0xa2: {  	_ =	swait.ge [sflag:s23], $0x1  }
0xa3: {  	[sflag:s23] =	ssyncset.done $0x0  }
0xa4: {  	s25 =	simm.s32 $0x1B8E;
	s24 =	sld [smem:$0x3FFE];
	[sflag:s23] =	ssyncadd.s32 $0xFFFFFFFF  }
0xa5: {  	s26 =	simm.s32 $execute0_lowered;
	[smem:$0x3FD2] =	sst s25  }
0xa6: {  	s5 =	sshll.u32 s26, $0x1;
	_ =	strace $0x80000049;
	[dreg:$0x1] =	wrdreg $0xFFFFFFFF  }
0xa7: {  	s28 =	simm.s32 $_size_execute0_lowered;
	s3 =	sadd.s32 s3, s5;
	[dreg:$0x0] =	wrdreg $0x0  }
0xa8: {  	s5 =	sshll.u32 s28, $0x1;
	[dreg:$0x2] =	wrdreg s3  }
0xa9: {  	[dreg:$0x3] =	wrdreg s5  }
0xaa: {  	[dreg:$0x4] =	wrdreg $0xC0  }
0xab: {  	_ =	task [dreg:s7], $0x5FFFF  }
0xac: {  	[dreg:$0x1] =	wrdreg $0xFFFFFFFF  }
0xad: {  	[dreg:$0x0] =	wrdreg $0x60  }
0xae: {  	[dreg:$0x2] =	wrdreg s24  }
0xaf: {  	[dreg:$0x3] =	wrdreg s2  }
0xb0: {  	[dreg:$0x4] =	wrdreg $0xA8000  }
0xb1: {  	[dreg:$0x5] =	wrdreg $0x9  }
0xb2: {  	_ =	task.clear_ibuf [dreg:s7], $0x6FFFF;
	_ =	strace $0x90000049  }
0xb3: {  	s29 =	simm.s32 $0x9;
	_ =	strace $0x8000004B  }
0xb4: {  	_ =	swait.ge [sflag:s29], $0x1  }
0xb5: {  	[sflag:s29] =	ssyncadd.s32 $0xFFFFFFFF  }
0xb6: {  	_ =	strace $0x9000004B  }
0xb7: {  	_ =	sfence  }
0xb8: {  	s30 =	sld [smem:$0x0];
	_ =	sdelay $0x2  }
0xb9: {  	s31 =	sshll.u32 s1, $0xD;
	s1 =	sshrl.u32 s1, $0x2  }
0xba: {  	s3 =	sand.u32 $0x4000, s31;
	s1 =	sadd.s32 s1, s30  }
0xbb: {  	s0 =	sor.u32 s3, s0;
	s1 =	sshll.u32 s1, $0x11  }
0xbc: {  	s0 =	sor.u32 s1, s0  }
0xbd: {  	s0 =	sadd.s32 $0x8F2B, s0  }
0xbe: {  	[sflag:s0] =	ssyncadd.remote.s32 $0x1  }
0xbf: {  	_ =	sfence.sel $0xFFFF  }
0xc0: {  	[dreg:$0x0] =	wrdreg $0xFFFFFFFF;
	(pc) =	sbr.abs _section_cstart, $3  }
0xc1: {  	[dreg:$0x1] =	wrdreg $0xFFFFFFFF  }
0xc2: {  	_ =	task.clear_ibuf [dreg:s7], $0x2FFFF;
	_ =	strace $0x9FFFFFFF  }
0xc3: {  	(tm) =	ssettm $0x7FFFFFFF  }
tec
execute0_lowered:
.L_overlay_start_1:
0x0: {  	(tag) =	ssettag $0x1  }
0x1: {  	s5 =	rddreg [dreg:$0x0]  }
0x2: {  	s0 =	srdreg.scid;
	s7 =	rddreg [dreg:$0x1]  }
0x3: {  	s2 =	rddreg [dreg:$0x2];
	s3 =	simm.s32 $0x0;
	s15 =	simm.s32 $0x6800  }
0x4: {  	s16 =	simm.s32 $0x1;
	s11 =	sand.u32 $0x1, s0;
	s0 =	stileid.u32  }
0x5: {  	s17 =	simm.s32 $0x0;
	[smem:$0x7FF] =	sst s3;
	s6 =	smul.u32 $0x2800, s0  }
0x6: {  	s4 =	sadd.s32 $0x88800, s5;
	s1 =	sshll.u32 s11, $0x4;
	s9 =	smul.u32 $0x28000, s11  }
0x7: {  	s12 =	ssub.s32 $0x2, s11;
	s13 =	smul.u32 $0x50000, s0;
	s31 =	sshll.u32 s0, $0x6  }
0x8: {  	p0 =	sne.s32 s11, $0x0;
	s1 =	sor.u32 s0, s1;
	s29 =	sshrl.u32 s12, $0x1  }
0x9: {  	s8 =	smul.u32 $0x680, s1;
	s1 =	rddreg [dreg:$0x3];
	_ =	strace $0x8000004A  }
0xa: {  	s9 =	sadd.s32 s6, s9;
	s6 =	sadd.s32 s6, s5;
	s12 =	ssub.s32 s12, s29  }
.Ltmp0:
0xb: {  	s30 =	sshrl.u32 s13, $0x2;
	s13 =	simm.s32 $0x3400;
	(pc) =	sbr.rel .LBB2_1-.Ltmp0, $4  }
0xc: {  	s9 =	sadd.s32 s9, s5;
	s14 =	sadd.s32 s30, s2;
	s10 =	sadd.s32 s8, s5  }
0xd: {  	s5 =	sadd.s32 $0x10800, s6;
	s6 =	sor.u32 $0x1C02, s31;
	s7 =	sadd.s32 s7, s8  }
0xe: {  	s9 =	sadd.s32 $0xB0800, s9;
	s11 =	sshrl.u32 s14, $0x3;
	s14 =	simm.s32 $0x80  }
0xf: {  	s8 =	sadd.s32 $0x3000, s10;
	s10 =	smax.u32 s12, $0x1;
	s12 =	simm.s32 $0x2  }
.LBB2_7:
0x10: {  	s18 =	sshra.s32 s18, $0x2;
	[sflag:s12] =	ssyncadd.s32 $0xFFFFC000  }
0x11: {  	[tilespmem:s15], [sflag:$0x1] =	stream.indirect.gather [hbm4b:s4+s14], $0x80, s18, s14, $0xb8;
	[tilespmem:$0x1E800] =	vst v63  }
0x12: {  	_ =	swait.ge [sflag:s16], $0x4000  }
0x13: {  	[sflag:s16] =	ssyncset.done $0x0  }
0x14: {  	s18 =	sadd.s32 $0x3400, s18;
	[sflag:s16] =	ssyncadd.s32 $0xFFFFC000  }
0x15: {  	[spmem:s2] =	stream.indirect.scatter.add.f32 [tilespmem:s15], [sflag:$0x2], $0x80, s18, s14, $0xb8;
	[tilespmem:$0x1E800] =	vst v63  }
0x16: {  	_ =	swait.ge [sflag:s12], $0x4000  }
0x17: {  	[sflag:s12] =	ssyncset.done $0x0  }
0x18: {  	[sflag:s12] =	ssyncadd.s32 $0xFFFFC000  }
.LBB2_8:
0x19: {  	s17 =	sadd.s32 $0x1, s17  }
0x1a: {  	p1 =	sne.s32 s17, s10  }
.Ltmp1:
0x1b: {  	[bflag:$0x0] =	sbarrier.arrive $0xFFFF;
	(pc) =	sbr.rel @!p1 .LBB2_9-.Ltmp1, $4  }
0x1c: {  	[hbm:s9], [sflag:s6] =	dma.local [spmem:s11], $0x2800  }
0x1d: {  	_ =	swait.ge [sflag:s12], $0x2800  }
0x1e: {  	[sflag:s12] =	ssyncset.done $0x0  }
0x1f: {  	[sflag:s12] =	ssyncadd.s32 $0xFFFFD800  }
.LBB2_1:
0x20: {  	[spmem:s11], [sflag:s6] =	dma.local [hbm:s5], $0x2800  }
0x21: {  	_ =	swait.ge [sflag:s12], $0x2800  }
0x22: {  	[sflag:s12] =	ssyncset.done $0x0  }
0x23: {  	[sflag:s12] =	ssyncadd.s32 $0xFFFFD800  }
0x24: {  	[tilespmem:s3], [sflag:$0x2] =	stream.linear.gather [hbm4b:s7+s3], $0x3200, $0x38;
	[tilespmem:$0x1E800] =	vst v63  }
0x25: {  	_ =	swait.ge [sflag:s12], $0x3200  }
0x26: {  	[sflag:s12] =	ssyncset.done $0x0  }
0x27: {  	[sflag:s12] =	ssyncadd.s32 $0xFFFFCE00  }
0x28: {  	[tilespmem:s13], [sflag:$0x2] =	stream.linear.gather [hbm4b:s8+s3], $0x3200, $0x38;
	[tilespmem:$0x1E800] =	vst v63  }
.Ltmp2:
0x29: {  	_ =	swait.ge [sflag:s12], $0x3200;
	(pc) =	sbr.rel @p0 .LBB2_5-.Ltmp2, $4  }
0x2a: {  	[sflag:s12] =	ssyncset.done $0x0  }
0x2b: {  	[sflag:s12] =	ssyncadd.s32 $0xFFFFCE00  }
0x2c: {  	[bflag:$0x0] =	sbarrier.arrive $0xFFFF  }
0x2d: {  	s18 =	simm.s32 $0x0  }
0x2e: {  	[tilespmem:s15], [sflag:$0x1] =	stream.indirect.gather [hbm4b:s4+s14], $0x80, s18, s14, $0xb8;
	[tilespmem:$0x1E800] =	vst v63  }
0x2f: {  	_ =	swait.ge [sflag:s16], $0x4000  }
0x30: {  	[sflag:s16] =	ssyncset.done $0x0  }
0x31: {  	s31 =	simm.s32 $0x3400;
	[sflag:s16] =	ssyncadd.s32 $0xFFFFC000  }
0x32: {  	[spmem:s2] =	stream.indirect.scatter.add.f32 [tilespmem:s15], [sflag:$0x2], $0x80, s31, s14, $0xb8;
	[tilespmem:$0x1E800] =	vst v63  }
0x33: {  	_ =	swait.ge [sflag:s12], $0x4000  }
0x34: {  	s18 =	simm.s32 $0x200;
	s19 =	simm.s32 $0x400;
	[sflag:s12] =	ssyncset.done $0x0  }
.LBB2_3:
0x35: {  	s20 =	sshra.s32 s18, $0x2  }
0x36: {  	[sflag:s12] =	ssyncadd.s32 $0xFFFFC000;
	s18 =	smov.u32 s19;
	s21 =	sadd.s32 $0x200, s19  }
0x37: {  	[tilespmem:s15], [sflag:$0x1] =	stream.indirect.gather [hbm4b:s4+s14], $0x80, s20, s14, $0xb8;
	[tilespmem:$0x1E800] =	vst v63  }
0x38: {  	p1 =	seq.s32 s19, $0xC600;
	_ =	swait.ge [sflag:s16], $0x4000  }
.Ltmp3:
0x39: {  	[sflag:s16] =	ssyncset.done $0x0;
	(pc) =	sbr.rel @!p1 .LBB2_3-.Ltmp3, $4  }
0x3a: {  	s19 =	sadd.s32 $0x3400, s20;
	[sflag:s16] =	ssyncadd.s32 $0xFFFFC000  }
0x3b: {  	[spmem:s2] =	stream.indirect.scatter.add.f32 [tilespmem:s15], [sflag:$0x2], $0x80, s19, s14, $0xb8;
	[tilespmem:$0x1E800] =	vst v63  }
0x3c: {  	_ =	swait.ge [sflag:s12], $0x4000  }
0x3d: {  	s19 =	smov.u32 s21;
	[sflag:s12] =	ssyncset.done $0x0  }
0x3e: {  	s18 =	sshra.s32 s18, $0x2;
	[sflag:s12] =	ssyncadd.s32 $0xFFFFC000  }
0x3f: {  	[tilespmem:s15], [sflag:$0x1] =	stream.indirect.gather [hbm4b:s4+s14], $0x80, s18, s14, $0xb8;
	[tilespmem:$0x1E800] =	vst v63  }
0x40: {  	_ =	swait.ge [sflag:s16], $0x4000  }
0x41: {  	[sflag:s16] =	ssyncset.done $0x0  }
.Ltmp4:
0x42: {  	s18 =	sadd.s32 $0x3400, s18;
	[sflag:s16] =	ssyncadd.s32 $0xFFFFC000;
	(pc) =	sbr.rel .LBB2_8-.Ltmp4, $4  }
0x43: {  	[spmem:s2] =	stream.indirect.scatter.add.f32 [tilespmem:s15], [sflag:$0x2], $0x80, s18, s14, $0xb8;
	[tilespmem:$0x1E800] =	vst v63  }
0x44: {  	_ =	swait.ge [sflag:s12], $0x4000  }
0x45: {  	[sflag:s12] =	ssyncset.done $0x0  }
0x46: {  	[sflag:s12] =	ssyncadd.s32 $0xFFFFC000  }
.LBB2_5:
0x47: {  	[tilespmem:s15], [sflag:$0x1] =	stream.indirect.gather [hbm4b:s4+s14], $0x80, s18, s14, $0xb8;
	[tilespmem:$0x1E800] =	vst v63  }
0x48: {  	_ =	swait.ge [sflag:s16], $0x4000  }
0x49: {  	[sflag:s16] =	ssyncset.done $0x0  }
0x4a: {  	s31 =	simm.s32 $0x3400;
	[sflag:s16] =	ssyncadd.s32 $0xFFFFC000  }
0x4b: {  	[spmem:s2] =	stream.indirect.scatter.add.f32 [tilespmem:s15], [sflag:$0x2], $0x80, s31, s14, $0xb8;
	[tilespmem:$0x1E800] =	vst v63  }
0x4c: {  	_ =	swait.ge [sflag:s12], $0x4000  }
0x4d: {  	s18 =	simm.s32 $0x200;
	s19 =	simm.s32 $0x400;
	[sflag:s12] =	ssyncset.done $0x0  }
.LBB2_6:
0x4e: {  	s20 =	sshra.s32 s18, $0x2  }
0x4f: {  	[sflag:s12] =	ssyncadd.s32 $0xFFFFC000;
	s18 =	smov.u32 s19;
	s21 =	sadd.s32 $0x200, s19  }
0x50: {  	[tilespmem:s15], [sflag:$0x1] =	stream.indirect.gather [hbm4b:s4+s14], $0x80, s20, s14, $0xb8;
	[tilespmem:$0x1E800] =	vst v63  }
0x51: {  	p1 =	sne.s32 s19, $0x7000;
	_ =	swait.ge [sflag:s16], $0x4000  }
.Ltmp5:
0x52: {  	[sflag:s16] =	ssyncset.done $0x0;
	(pc) =	sbr.rel @p1 .LBB2_6-.Ltmp5, $4  }
0x53: {  	s19 =	sadd.s32 $0x3400, s20;
	[sflag:s16] =	ssyncadd.s32 $0xFFFFC000  }
0x54: {  	[spmem:s2] =	stream.indirect.scatter.add.f32 [tilespmem:s15], [sflag:$0x2], $0x80, s19, s14, $0xb8;
	[tilespmem:$0x1E800] =	vst v63  }
0x55: {  	_ =	swait.ge [sflag:s12], $0x4000  }
0x56: {  	s19 =	smov.u32 s21;
	[sflag:s12] =	ssyncset.done $0x0  }
.Ltmp6:
0x57: {  	_ = 	snop;
	(pc) =	sbr.rel .LBB2_7-.Ltmp6, $1  }
0x58: {  	_ =	sdelay $0x3  }
.LBB2_9:
0x59: {  	_ =	sfence.sel $0x180000  }
0x5a: {  	[bflag:$0x0] =	sbarrier.arrive $0xFFFF  }
0x5b: {  	p0 =	sne.s32 s0, $0x0;
	_ =	strace $0x9000004A  }
0x5c: {  	s0 =	sadd.s32 @!p0 $0x100000, s1;
	[bflag:$0x2] =	sbarrier.arrive $0xFFFF  }
0x5d: {  	[sflag:s0] =	ssyncadd.tile.s32 @!p0 $0x1;
	_ =	shalt  }
.Lfunc_end2:
_tile_overlayer_lowered:
.L_overlay_start_2:
0x5e: {  	(tag) =	ssettag $0x2  }
0x5f: {  	s0 =	rddreg [dreg:$0x0];
	s2 =	stileid.u32  }
0x60: {  	s1 =	rddreg [dreg:$0x1];
	p0 =	sne.s32 s2, $0x0  }
0x61: {  	s3 =	rddreg [dreg:$0x2];
	[bflag:$0x3] =	sbarrier.arrive $0xFFFF;
	s2 =	simm.s32 @!p0 $0x1C02  }
0x62: {  	[timem:s3], [sflag:s2] =	dma.local @!p0 [hbm:s0], s1  }
0x63: {  	s0 =	simm.s32 @!p0 $0x2  }
0x64: {  	_ =	swait.ge @!p0 [sflag:s0], s1  }
0x65: {  	s1 =	ssub.s32 @!p0 $0x0, s1;
	[sflag:s0] =	ssyncset.done @!p0 $0x0  }
0x66: {  	[sflag:s0] =	ssyncadd.s32 @!p0 s1  }
0x67: {  	[bflag:$0x3] =	sbarrier.arrive $0xFFFF  }
0x68: {  	_ =	shalt  }

// kernel: kernel.16.cloned.1.call-start
scs
__scs_entry_jumppad:
0x0: {  	(pc) =	sbr.rel $0x88, $3  }
0x1: {  	(tag) =	ssettag $0x0;
	lr =	simm.s32 $0x1  }
0x2: {  	[smem:$0x3F99] =	sst lr;
	_ =	strace $0xD0000000  }
0x3: {  	_ = 	snop  }
0x4: {  	_ = 	snop  }
0x5: {  	_ = 	snop  }
0x6: {  	_ = 	snop  }
0x7: {  	_ = 	snop  }
__scs_overlays_trampoline_lowered:
0x8: {  	[smem:$0x3FA8] =	sst s0  }
0x9: {  	[smem:$0x3FA9] =	sst s1  }
0xa: {  	[smem:$0x3FAA] =	sst s2  }
0xb: {  	[smem:$0x3FAB] =	sst s3  }
0xc: {  	[smem:$0x3FAC] =	sst s4  }
0xd: {  	[smem:$0x3FAD] =	sst s5  }
0xe: {  	[smem:$0x3FAE] =	sst s6  }
0xf: {  	[smem:$0x3FAF] =	sst s7  }
0x10: {  	[smem:$0x3FB0] =	sst s8  }
0x11: {  	[smem:$0x3FB1] =	sst s9;
	s0 =	simm.s32 @!p0 $0x0  }
0x12: {  	s1 =	sld [smem:$0x3F97];
	s0 =	simm.s32 @p0 $0x1  }
0x13: {  	[smem:$0x3FB2] =	sst s0;
	s0 =	simm.s32 @!p1 $0x0  }
0x14: {  	s2 =	sld [smem:$0x3F96];
	s0 =	simm.s32 @p1 $0x1  }
0x15: {  	[smem:$0x3FB3] =	sst s0;
	s0 =	simm.s32 @!p2 $0x0  }
0x16: {  	s3 =	sld [smem:$0x3FDB];
	s0 =	simm.s32 @p2 $0x1  }
0x17: {  	s4 =	simm.s32 $0x1BF5;
	[smem:$0x3FB5] =	sst s0  }
0x18: {  	s0 =	sld [smem:$0x3F98];
	_ =	swait.ge [sflag:s4], $0x0  }
0x19: {  	s7 =	sld [smem:$0x3F99]  }
0x1a: {  	s8 =	sadd.s32 $0xFFFFE003, lr  }
0x1b: {  	s9 =	sadd.s32 $0xFFFFFEF7, lr;
	s5 =	simm.s32 $0xFFFFFFFF;
	p2 =	slt.u32 s8, $0xFFFFF086  }
0x1c: {  	p1 =	slt.u32 s9, $0xF7A;
	s5 =	simm.s32 @!p2 $0x0  }
0x1d: {  	s5 =	simm.s32 @p1 $0x1;
	p0 =	seq.s32 s7, s2  }
0x1e: {  	s7 =	smul.u32 @!p0 $0xF7A, s2;
	p2 =	seq.s32 @!p0 s5, $0x0  }
0x1f: {  	s9 =	smul.u32 $0xF7A, s1;
	s8 =	simm.s32 @!p0 $0x1BF5;
	p2 =	por !p2, p0  }
0x20: {  	[sflag:s8] =	ssyncset.s32 @!p0 $0xFFFFF086;
	s6 =	sadd.s32 @!p0 s3, s7;
	s7 =	simm.s32 @!p0 $0x108  }
0x21: {  	s3 =	sadd.s32 s3, s9;
	s6 =	sadd.s32 @!p0 $0x88, s6;
	s7 =	simm.s32 @p2 $0x1082  }
0x22: {  	[simem:s7], [sflag:s8] =	dma.local @!p0 [hbm:s6], $0xF7A  }
0x23: {  	s9 =	sor.u32 $0xD0000000, s2;
	s6 =	simm.s32 $0x108;
	_ =	swait.ge @!p0 [sflag:s8], $0x0  }
0x24: {  	s3 =	sadd.s32 $0x88, s3;
	s6 =	simm.s32 @!p1 $0x1082;
	[sflag:s4] =	ssyncset.s32 $0xFFFFF086  }
0x25: {  	[simem:s6], [sflag:s4] =	dma.local [hbm:s3], $0xF7A  }
0x26: {  	[smem:$0x3F99] =	sst s1;
	(tag) =	ssettag s2;
	_ =	strace s9  }
0x27: {  	s1 =	sld [smem:$0x3FA9]  }
0x28: {  	s2 =	sld [smem:$0x3FAA]  }
0x29: {  	s4 =	sld [smem:$0x3FAC]  }
0x2a: {  	p0 =	seq.s32 s5, $0x0;
	s5 =	sld [smem:$0x3FAD]  }
0x2b: {  	s6 =	sld [smem:$0x3FAE]  }
0x2c: {  	s7 =	sld [smem:$0x3FAF]  }
0x2d: {  	s3 =	simm.s32 $0x108;
	s8 =	sld [smem:$0x3FB0]  }
0x2e: {  	s3 =	simm.s32 @!p0 $0x1082;
	s9 =	sld [smem:$0x3FB1]  }
0x2f: {  	lr =	sadd.s32 s0, s3;
	s0 =	sld [smem:$0x3FA8]  }
0x30: {  	s3 =	sld [smem:$0x3FAB]  }
0x31: {  	[smem:$0x3FB4] =	sst s10  }
0x32: {  	s10 =	sld [smem:$0x3FB2];
	_ =	sdelay $0x3  }
0x33: {  	p0 =	seq.s32 s10, $0x1;
	s10 =	sld [smem:$0x3FB4];
	_ =	sdelay $0x3  }
0x34: {  	[smem:$0x3FB4] =	sst s10  }
0x35: {  	s10 =	sld [smem:$0x3FB3];
	_ =	sdelay $0x3  }
0x36: {  	p1 =	seq.s32 s10, $0x1;
	s10 =	sld [smem:$0x3FB4];
	_ =	sdelay $0x3  }
0x37: {  	[smem:$0x3FB4] =	sst s10  }
0x38: {  	s10 =	sld [smem:$0x3FB5]  }
0x39: {  	_ = 	snop;
	(pc) =	sbr.ind lr, $3  }
0x3a: {  	_ = 	snop  }
0x3b: {  	_ = 	snop  }
0x3c: {  	p2 =	seq.s32 s10, $0x1;
	s10 =	sld [smem:$0x3FB4]  }
0x3d: {  	_ =	shalt  }
0x3e: {  	_ =	shalt  }
0x3f: {  	_ =	shalt  }
0x40: {  	_ =	shalt  }
0x41: {  	_ =	shalt  }
0x42: {  	_ =	shalt  }
0x43: {  	_ =	shalt  }
0x44: {  	_ =	shalt  }
0x45: {  	_ =	shalt  }
0x46: {  	_ =	shalt  }
0x47: {  	_ =	shalt  }
0x48: {  	_ =	shalt  }
0x49: {  	_ =	shalt  }
0x4a: {  	_ =	shalt  }
0x4b: {  	_ =	shalt  }
0x4c: {  	_ =	shalt  }
0x4d: {  	_ =	shalt  }
0x4e: {  	_ =	shalt  }
0x4f: {  	_ =	shalt  }
0x50: {  	_ =	shalt  }
0x51: {  	_ =	shalt  }
0x52: {  	_ =	shalt  }
0x53: {  	_ =	shalt  }
0x54: {  	_ =	shalt  }
0x55: {  	_ =	shalt  }
0x56: {  	_ =	shalt  }
0x57: {  	_ =	shalt  }
0x58: {  	_ =	shalt  }
0x59: {  	_ =	shalt  }
0x5a: {  	_ =	shalt  }
0x5b: {  	_ =	shalt  }
0x5c: {  	_ =	shalt  }
0x5d: {  	_ =	shalt  }
0x5e: {  	_ =	shalt  }
0x5f: {  	_ =	shalt  }
0x60: {  	_ =	shalt  }
0x61: {  	_ =	shalt  }
0x62: {  	_ =	shalt  }
0x63: {  	_ =	shalt  }
0x64: {  	_ =	shalt  }
0x65: {  	_ =	shalt  }
0x66: {  	_ =	shalt  }
0x67: {  	_ =	shalt  }
0x68: {  	_ =	shalt  }
0x69: {  	_ =	shalt  }
0x6a: {  	_ =	shalt  }
0x6b: {  	_ =	shalt  }
0x6c: {  	_ =	shalt  }
0x6d: {  	_ =	shalt  }
0x6e: {  	_ =	shalt  }
0x6f: {  	_ =	shalt  }
0x70: {  	_ =	shalt  }
0x71: {  	_ =	shalt  }
0x72: {  	_ =	shalt  }
0x73: {  	_ =	shalt  }
0x74: {  	_ =	shalt  }
0x75: {  	_ =	shalt  }
0x76: {  	_ =	shalt  }
0x77: {  	_ =	shalt  }
0x78: {  	_ =	shalt  }
0x79: {  	_ =	shalt  }
0x7a: {  	_ =	shalt  }
0x7b: {  	_ =	shalt  }
0x7c: {  	_ =	shalt  }
0x7d: {  	_ =	shalt  }
0x7e: {  	_ =	shalt  }
0x7f: {  	_ =	shalt  }
0x80: {  	_ =	shalt  }
0x81: {  	_ =	shalt  }
0x82: {  	_ =	shalt  }
0x83: {  	_ =	shalt  }
0x84: {  	_ =	shalt  }
0x85: {  	_ =	shalt  }
0x86: {  	_ =	shalt  }
0x87: {  	_ =	shalt  }
.Lfunc_end0:
.L_simem_size_0:
called_computation.2_lowered:
.L_overlay_start_0:
0x88: {  	s2 =	sld [smem:$0x3FD9]  }
0x89: {  	s3 =	sld [smem:$0x3FFE];
	_ =	sdelay $0x1  }
0x8a: {  	s1 =	srdreg.scid  }
0x8b: {  	s0 =	sand.u32 $0x1, s1  }
0x8c: {  	s17 =	sshll.u32 s0, $0xA;
	s2 =	sadd.s32 s3, s2  }
0x8d: {  	s2 =	sadd.s32 s2, s17  }
0x8e: {  	[smem:$0x3FC0] =	sst s2  }
0x8f: {  	_ = 	snop  }
0x90: {  	s2 =	sld [smem:$0x3FD0];
	(tm) =	ssettm $0x1  }
0x91: {  	s18 =	sld [smem:$0x3FFB];
	_ =	sdelay $0x3  }
0x92: {  	_ =	strace s18  }
0x93: {  	s3 =	sld [smem:$0x3FFC];
	_ =	sdelay $0x3  }
0x94: {  	_ =	strace s3  }
0x95: {  	s3 =	sld [smem:$0x3FFD];
	_ =	sdelay $0x3  }
0x96: {  	_ =	strace s3  }
0x97: {  	_ =	strace $0x8FFFFFFF  }
0x98: {  	s19 =	sld [smem:$0x3FDB];
	_ =	sdelay $0x1  }
0x99: {  	s4 =	simm.s32 $_scs_section_size  }
0x9a: {  	s5 =	simm.s32 $_size__tile_overlayer_lowered;
	s6 =	simm.s32 $_tile_overlayer_lowered  }
0x9b: {  	s22 =	simm.s32 $0x1BFF;
	s21 =	sshll.u32 s6, $0x1;
	s3 =	sadd.s32 s4, s19  }
0x9c: {  	s7 =	simm.s32 $0x0;
	s20 =	sshll.u32 s5, $0x1;
	s5 =	sadd.s32 s21, s3  }
0x9d: {  	[timem:s7], [sflag:s22] =	dma.local [hbm:s5], s20  }
0x9e: {  	_ =	swait.ge [sflag:s22], s20  }
0x9f: {  	s4 =	ssub.s32 $0x0, s20;
	[sflag:s22] =	ssyncset.done $0x0  }
0xa0: {  	[sflag:s22] =	ssyncadd.s32 s4;
	_ =	sdelay $0x1  }
0xa1: {  	s23 =	simm.s32 $0x1B8B  }
0xa2: {  	_ =	swait.ge [sflag:s23], $0x1  }
0xa3: {  	[sflag:s23] =	ssyncset.done $0x0  }
0xa4: {  	s25 =	simm.s32 $0x1B8E;
	s24 =	sld [smem:$0x3FFE];
	[sflag:s23] =	ssyncadd.s32 $0xFFFFFFFF  }
0xa5: {  	s26 =	simm.s32 $execute0_lowered;
	[smem:$0x3FD2] =	sst s25  }
0xa6: {  	s5 =	sshll.u32 s26, $0x1;
	_ =	strace $0x8000004C;
	[dreg:$0x1] =	wrdreg $0xFFFFFFFF  }
0xa7: {  	s28 =	simm.s32 $_size_execute0_lowered;
	s3 =	sadd.s32 s3, s5;
	[dreg:$0x0] =	wrdreg $0x0  }
0xa8: {  	s5 =	sshll.u32 s28, $0x1;
	[dreg:$0x2] =	wrdreg s3  }
0xa9: {  	[dreg:$0x3] =	wrdreg s5  }
0xaa: {  	[dreg:$0x4] =	wrdreg $0xC0  }
0xab: {  	_ =	task [dreg:s7], $0x5FFFF  }
0xac: {  	[dreg:$0x1] =	wrdreg $0xFFFFFFFF  }
0xad: {  	[dreg:$0x0] =	wrdreg $0x60  }
0xae: {  	[dreg:$0x2] =	wrdreg s24  }
0xaf: {  	[dreg:$0x3] =	wrdreg s2  }
0xb0: {  	[dreg:$0x4] =	wrdreg $0xA8000  }
0xb1: {  	[dreg:$0x5] =	wrdreg $0x9  }
0xb2: {  	_ =	task.clear_ibuf [dreg:s7], $0x6FFFF;
	_ =	strace $0x9000004C  }
0xb3: {  	s29 =	simm.s32 $0x9;
	_ =	strace $0x8000004E  }
0xb4: {  	_ =	swait.ge [sflag:s29], $0x1  }
0xb5: {  	[sflag:s29] =	ssyncadd.s32 $0xFFFFFFFF  }
0xb6: {  	_ =	strace $0x9000004E  }
0xb7: {  	_ =	sfence  }
0xb8: {  	s30 =	sld [smem:$0x0];
	_ =	sdelay $0x2  }
0xb9: {  	s31 =	sshll.u32 s1, $0xD;
	s1 =	sshrl.u32 s1, $0x2  }
0xba: {  	s3 =	sand.u32 $0x4000, s31;
	s1 =	sadd.s32 s1, s30  }
0xbb: {  	s0 =	sor.u32 s3, s0;
	s1 =	sshll.u32 s1, $0x11  }
0xbc: {  	s0 =	sor.u32 s1, s0  }
0xbd: {  	s0 =	sadd.s32 $0x8F2B, s0  }
0xbe: {  	[sflag:s0] =	ssyncadd.remote.s32 $0x1  }
0xbf: {  	_ =	sfence.sel $0xFFFF  }
0xc0: {  	[dreg:$0x0] =	wrdreg $0xFFFFFFFF;
	(pc) =	sbr.abs _section_cstart, $3  }
0xc1: {  	[dreg:$0x1] =	wrdreg $0xFFFFFFFF  }
0xc2: {  	_ =	task.clear_ibuf [dreg:s7], $0x2FFFF;
	_ =	strace $0x9FFFFFFF  }
0xc3: {  	(tm) =	ssettm $0x7FFFFFFF  }
tec
execute0_lowered:
.L_overlay_start_1:
0x0: {  	(tag) =	ssettag $0x1  }
0x1: {  	s5 =	rddreg [dreg:$0x0]  }
0x2: {  	s0 =	srdreg.scid;
	s7 =	rddreg [dreg:$0x1]  }
0x3: {  	s2 =	rddreg [dreg:$0x2];
	s3 =	simm.s32 $0x0;
	s15 =	simm.s32 $0x6800  }
0x4: {  	s16 =	simm.s32 $0x1;
	s11 =	sand.u32 $0x1, s0;
	s0 =	stileid.u32  }
0x5: {  	s17 =	simm.s32 $0x0;
	[smem:$0x7FF] =	sst s3;
	s6 =	smul.u32 $0x2800, s0  }
0x6: {  	s4 =	sadd.s32 $0x88800, s5;
	s1 =	sshll.u32 s11, $0x4;
	s9 =	smul.u32 $0x28000, s11  }
0x7: {  	s12 =	ssub.s32 $0x2, s11;
	s13 =	smul.u32 $0x50000, s0;
	s31 =	sshll.u32 s0, $0x6  }
0x8: {  	p0 =	sne.s32 s11, $0x0;
	s1 =	sor.u32 s0, s1;
	s29 =	sshrl.u32 s12, $0x1  }
0x9: {  	s8 =	smul.u32 $0x680, s1;
	s1 =	rddreg [dreg:$0x3];
	_ =	strace $0x8000004D  }
0xa: {  	s9 =	sadd.s32 s6, s9;
	s6 =	sadd.s32 s6, s5;
	s12 =	ssub.s32 s12, s29  }
.Ltmp0:
0xb: {  	s30 =	sshrl.u32 s13, $0x2;
	s13 =	simm.s32 $0x3400;
	(pc) =	sbr.rel .LBB2_1-.Ltmp0, $4  }
0xc: {  	s9 =	sadd.s32 s9, s5;
	s14 =	sadd.s32 s30, s2;
	s10 =	sadd.s32 s8, s5  }
0xd: {  	s5 =	sadd.s32 $0x10800, s6;
	s6 =	sor.u32 $0x1C02, s31;
	s7 =	sadd.s32 s7, s8  }
0xe: {  	s9 =	sadd.s32 $0xB0800, s9;
	s11 =	sshrl.u32 s14, $0x3;
	s14 =	simm.s32 $0x80  }
0xf: {  	s8 =	sadd.s32 $0x3000, s10;
	s10 =	smax.u32 s12, $0x1;
	s12 =	simm.s32 $0x2  }
.LBB2_7:
0x10: {  	s18 =	sshra.s32 s18, $0x2;
	[sflag:s12] =	ssyncadd.s32 $0xFFFFC000  }
0x11: {  	[tilespmem:s15], [sflag:$0x1] =	stream.indirect.gather [hbm4b:s4+s14], $0x80, s18, s14, $0xb8;
	[tilespmem:$0x1E800] =	vst v63  }
0x12: {  	_ =	swait.ge [sflag:s16], $0x4000  }
0x13: {  	[sflag:s16] =	ssyncset.done $0x0  }
0x14: {  	s18 =	sadd.s32 $0x3400, s18;
	[sflag:s16] =	ssyncadd.s32 $0xFFFFC000  }
0x15: {  	[spmem:s2] =	stream.indirect.scatter.add.f32 [tilespmem:s15], [sflag:$0x2], $0x80, s18, s14, $0xb8;
	[tilespmem:$0x1E800] =	vst v63  }
0x16: {  	_ =	swait.ge [sflag:s12], $0x4000  }
0x17: {  	[sflag:s12] =	ssyncset.done $0x0  }
0x18: {  	[sflag:s12] =	ssyncadd.s32 $0xFFFFC000  }
.LBB2_8:
0x19: {  	s17 =	sadd.s32 $0x1, s17  }
0x1a: {  	p1 =	sne.s32 s17, s10  }
.Ltmp1:
0x1b: {  	[bflag:$0x0] =	sbarrier.arrive $0xFFFF;
	(pc) =	sbr.rel @!p1 .LBB2_9-.Ltmp1, $4  }
0x1c: {  	[hbm:s9], [sflag:s6] =	dma.local [spmem:s11], $0x2800  }
0x1d: {  	_ =	swait.ge [sflag:s12], $0x2800  }
0x1e: {  	[sflag:s12] =	ssyncset.done $0x0  }
0x1f: {  	[sflag:s12] =	ssyncadd.s32 $0xFFFFD800  }
.LBB2_1:
0x20: {  	[spmem:s11], [sflag:s6] =	dma.local [hbm:s5], $0x2800  }
0x21: {  	_ =	swait.ge [sflag:s12], $0x2800  }
0x22: {  	[sflag:s12] =	ssyncset.done $0x0  }
0x23: {  	[sflag:s12] =	ssyncadd.s32 $0xFFFFD800  }
0x24: {  	[tilespmem:s3], [sflag:$0x2] =	stream.linear.gather [hbm4b:s7+s3], $0x3200, $0x38;
	[tilespmem:$0x1E800] =	vst v63  }
0x25: {  	_ =	swait.ge [sflag:s12], $0x3200  }
0x26: {  	[sflag:s12] =	ssyncset.done $0x0  }
0x27: {  	[sflag:s12] =	ssyncadd.s32 $0xFFFFCE00  }
0x28: {  	[tilespmem:s13], [sflag:$0x2] =	stream.linear.gather [hbm4b:s8+s3], $0x3200, $0x38;
	[tilespmem:$0x1E800] =	vst v63  }
.Ltmp2:
0x29: {  	_ =	swait.ge [sflag:s12], $0x3200;
	(pc) =	sbr.rel @p0 .LBB2_5-.Ltmp2, $4  }
0x2a: {  	[sflag:s12] =	ssyncset.done $0x0  }
0x2b: {  	[sflag:s12] =	ssyncadd.s32 $0xFFFFCE00  }
0x2c: {  	[bflag:$0x0] =	sbarrier.arrive $0xFFFF  }
0x2d: {  	s18 =	simm.s32 $0x0  }
0x2e: {  	[tilespmem:s15], [sflag:$0x1] =	stream.indirect.gather [hbm4b:s4+s14], $0x80, s18, s14, $0xb8;
	[tilespmem:$0x1E800] =	vst v63  }
0x2f: {  	_ =	swait.ge [sflag:s16], $0x4000  }
0x30: {  	[sflag:s16] =	ssyncset.done $0x0  }
0x31: {  	s31 =	simm.s32 $0x3400;
	[sflag:s16] =	ssyncadd.s32 $0xFFFFC000  }
0x32: {  	[spmem:s2] =	stream.indirect.scatter.add.f32 [tilespmem:s15], [sflag:$0x2], $0x80, s31, s14, $0xb8;
	[tilespmem:$0x1E800] =	vst v63  }
0x33: {  	_ =	swait.ge [sflag:s12], $0x4000  }
0x34: {  	s18 =	simm.s32 $0x200;
	s19 =	simm.s32 $0x400;
	[sflag:s12] =	ssyncset.done $0x0  }
.LBB2_3:
0x35: {  	s20 =	sshra.s32 s18, $0x2  }
0x36: {  	[sflag:s12] =	ssyncadd.s32 $0xFFFFC000;
	s18 =	smov.u32 s19;
	s21 =	sadd.s32 $0x200, s19  }
0x37: {  	[tilespmem:s15], [sflag:$0x1] =	stream.indirect.gather [hbm4b:s4+s14], $0x80, s20, s14, $0xb8;
	[tilespmem:$0x1E800] =	vst v63  }
0x38: {  	p1 =	seq.s32 s19, $0xC600;
	_ =	swait.ge [sflag:s16], $0x4000  }
.Ltmp3:
0x39: {  	[sflag:s16] =	ssyncset.done $0x0;
	(pc) =	sbr.rel @!p1 .LBB2_3-.Ltmp3, $4  }
0x3a: {  	s19 =	sadd.s32 $0x3400, s20;
	[sflag:s16] =	ssyncadd.s32 $0xFFFFC000  }
0x3b: {  	[spmem:s2] =	stream.indirect.scatter.add.f32 [tilespmem:s15], [sflag:$0x2], $0x80, s19, s14, $0xb8;
	[tilespmem:$0x1E800] =	vst v63  }
0x3c: {  	_ =	swait.ge [sflag:s12], $0x4000  }
0x3d: {  	s19 =	smov.u32 s21;
	[sflag:s12] =	ssyncset.done $0x0  }
0x3e: {  	s18 =	sshra.s32 s18, $0x2;
	[sflag:s12] =	ssyncadd.s32 $0xFFFFC000  }
0x3f: {  	[tilespmem:s15], [sflag:$0x1] =	stream.indirect.gather [hbm4b:s4+s14], $0x80, s18, s14, $0xb8;
	[tilespmem:$0x1E800] =	vst v63  }
0x40: {  	_ =	swait.ge [sflag:s16], $0x4000  }
0x41: {  	[sflag:s16] =	ssyncset.done $0x0  }
.Ltmp4:
0x42: {  	s18 =	sadd.s32 $0x3400, s18;
	[sflag:s16] =	ssyncadd.s32 $0xFFFFC000;
	(pc) =	sbr.rel .LBB2_8-.Ltmp4, $4  }
0x43: {  	[spmem:s2] =	stream.indirect.scatter.add.f32 [tilespmem:s15], [sflag:$0x2], $0x80, s18, s14, $0xb8;
	[tilespmem:$0x1E800] =	vst v63  }
0x44: {  	_ =	swait.ge [sflag:s12], $0x4000  }
0x45: {  	[sflag:s12] =	ssyncset.done $0x0  }
0x46: {  	[sflag:s12] =	ssyncadd.s32 $0xFFFFC000  }
.LBB2_5:
0x47: {  	[tilespmem:s15], [sflag:$0x1] =	stream.indirect.gather [hbm4b:s4+s14], $0x80, s18, s14, $0xb8;
	[tilespmem:$0x1E800] =	vst v63  }
0x48: {  	_ =	swait.ge [sflag:s16], $0x4000  }
0x49: {  	[sflag:s16] =	ssyncset.done $0x0  }
0x4a: {  	s31 =	simm.s32 $0x3400;
	[sflag:s16] =	ssyncadd.s32 $0xFFFFC000  }
0x4b: {  	[spmem:s2] =	stream.indirect.scatter.add.f32 [tilespmem:s15], [sflag:$0x2], $0x80, s31, s14, $0xb8;
	[tilespmem:$0x1E800] =	vst v63  }
0x4c: {  	_ =	swait.ge [sflag:s12], $0x4000  }
0x4d: {  	s18 =	simm.s32 $0x200;
	s19 =	simm.s32 $0x400;
	[sflag:s12] =	ssyncset.done $0x0  }
.LBB2_6:
0x4e: {  	s20 =	sshra.s32 s18, $0x2  }
0x4f: {  	[sflag:s12] =	ssyncadd.s32 $0xFFFFC000;
	s18 =	smov.u32 s19;
	s21 =	sadd.s32 $0x200, s19  }
0x50: {  	[tilespmem:s15], [sflag:$0x1] =	stream.indirect.gather [hbm4b:s4+s14], $0x80, s20, s14, $0xb8;
	[tilespmem:$0x1E800] =	vst v63  }
0x51: {  	p1 =	sne.s32 s19, $0x7000;
	_ =	swait.ge [sflag:s16], $0x4000  }
.Ltmp5:
0x52: {  	[sflag:s16] =	ssyncset.done $0x0;
	(pc) =	sbr.rel @p1 .LBB2_6-.Ltmp5, $4  }
0x53: {  	s19 =	sadd.s32 $0x3400, s20;
	[sflag:s16] =	ssyncadd.s32 $0xFFFFC000  }
0x54: {  	[spmem:s2] =	stream.indirect.scatter.add.f32 [tilespmem:s15], [sflag:$0x2], $0x80, s19, s14, $0xb8;
	[tilespmem:$0x1E800] =	vst v63  }
0x55: {  	_ =	swait.ge [sflag:s12], $0x4000  }
0x56: {  	s19 =	smov.u32 s21;
	[sflag:s12] =	ssyncset.done $0x0  }
.Ltmp6:
0x57: {  	_ = 	snop;
	(pc) =	sbr.rel .LBB2_7-.Ltmp6, $1  }
0x58: {  	_ =	sdelay $0x3  }
.LBB2_9:
0x59: {  	_ =	sfence.sel $0x180000  }
0x5a: {  	[bflag:$0x0] =	sbarrier.arrive $0xFFFF  }
0x5b: {  	p0 =	sne.s32 s0, $0x0;
	_ =	strace $0x9000004D  }
0x5c: {  	s0 =	sadd.s32 @!p0 $0x100000, s1;
	[bflag:$0x2] =	sbarrier.arrive $0xFFFF  }
0x5d: {  	[sflag:s0] =	ssyncadd.tile.s32 @!p0 $0x1;
	_ =	shalt  }
.Lfunc_end2:
_tile_overlayer_lowered:
.L_overlay_start_2:
0x5e: {  	(tag) =	ssettag $0x2  }
0x5f: {  	s0 =	rddreg [dreg:$0x0];
	s2 =	stileid.u32  }
0x60: {  	s1 =	rddreg [dreg:$0x1];
	p0 =	sne.s32 s2, $0x0  }
0x61: {  	s3 =	rddreg [dreg:$0x2];
	[bflag:$0x3] =	sbarrier.arrive $0xFFFF;
	s2 =	simm.s32 @!p0 $0x1C02  }
0x62: {  	[timem:s3], [sflag:s2] =	dma.local @!p0 [hbm:s0], s1  }
0x63: {  	s0 =	simm.s32 @!p0 $0x2  }
0x64: {  	_ =	swait.ge @!p0 [sflag:s0], s1  }
0x65: {  	s1 =	ssub.s32 @!p0 $0x0, s1;
	[sflag:s0] =	ssyncset.done @!p0 $0x0  }
0x66: {  	[sflag:s0] =	ssyncadd.s32 @!p0 s1  }
0x67: {  	[bflag:$0x3] =	sbarrier.arrive $0xFFFF  }
0x68: {  	_ =	shalt  }

// kernel: kernel.19.cloned.1.call-start
scs
__scs_entry_jumppad:
0x0: {  	(pc) =	sbr.rel $0x88, $3  }
0x1: {  	(tag) =	ssettag $0x0;
	lr =	simm.s32 $0x1  }
0x2: {  	[smem:$0x3F99] =	sst lr;
	_ =	strace $0xD0000000  }
0x3: {  	_ = 	snop  }
0x4: {  	_ = 	snop  }
0x5: {  	_ = 	snop  }
0x6: {  	_ = 	snop  }
0x7: {  	_ = 	snop  }
__scs_overlays_trampoline_lowered:
0x8: {  	[smem:$0x3FA8] =	sst s0  }
0x9: {  	[smem:$0x3FA9] =	sst s1  }
0xa: {  	[smem:$0x3FAA] =	sst s2  }
0xb: {  	[smem:$0x3FAB] =	sst s3  }
0xc: {  	[smem:$0x3FAC] =	sst s4  }
0xd: {  	[smem:$0x3FAD] =	sst s5  }
0xe: {  	[smem:$0x3FAE] =	sst s6  }
0xf: {  	[smem:$0x3FAF] =	sst s7  }
0x10: {  	[smem:$0x3FB0] =	sst s8  }
0x11: {  	[smem:$0x3FB1] =	sst s9;
	s0 =	simm.s32 @!p0 $0x0  }
0x12: {  	s1 =	sld [smem:$0x3F97];
	s0 =	simm.s32 @p0 $0x1  }
0x13: {  	[smem:$0x3FB2] =	sst s0;
	s0 =	simm.s32 @!p1 $0x0  }
0x14: {  	s2 =	sld [smem:$0x3F96];
	s0 =	simm.s32 @p1 $0x1  }
0x15: {  	[smem:$0x3FB3] =	sst s0;
	s0 =	simm.s32 @!p2 $0x0  }
0x16: {  	s3 =	sld [smem:$0x3FDB];
	s0 =	simm.s32 @p2 $0x1  }
0x17: {  	s4 =	simm.s32 $0x1BF5;
	[smem:$0x3FB5] =	sst s0  }
0x18: {  	s0 =	sld [smem:$0x3F98];
	_ =	swait.ge [sflag:s4], $0x0  }
0x19: {  	s7 =	sld [smem:$0x3F99]  }
0x1a: {  	s8 =	sadd.s32 $0xFFFFE003, lr  }
0x1b: {  	s9 =	sadd.s32 $0xFFFFFEF7, lr;
	s5 =	simm.s32 $0xFFFFFFFF;
	p2 =	slt.u32 s8, $0xFFFFF086  }
0x1c: {  	p1 =	slt.u32 s9, $0xF7A;
	s5 =	simm.s32 @!p2 $0x0  }
0x1d: {  	s5 =	simm.s32 @p1 $0x1;
	p0 =	seq.s32 s7, s2  }
0x1e: {  	s7 =	smul.u32 @!p0 $0xF7A, s2;
	p2 =	seq.s32 @!p0 s5, $0x0  }
0x1f: {  	s9 =	smul.u32 $0xF7A, s1;
	s8 =	simm.s32 @!p0 $0x1BF5;
	p2 =	por !p2, p0  }
0x20: {  	[sflag:s8] =	ssyncset.s32 @!p0 $0xFFFFF086;
	s6 =	sadd.s32 @!p0 s3, s7;
	s7 =	simm.s32 @!p0 $0x108  }
0x21: {  	s3 =	sadd.s32 s3, s9;
	s6 =	sadd.s32 @!p0 $0x88, s6;
	s7 =	simm.s32 @p2 $0x1082  }
0x22: {  	[simem:s7], [sflag:s8] =	dma.local @!p0 [hbm:s6], $0xF7A  }
0x23: {  	s9 =	sor.u32 $0xD0000000, s2;
	s6 =	simm.s32 $0x108;
	_ =	swait.ge @!p0 [sflag:s8], $0x0  }
0x24: {  	s3 =	sadd.s32 $0x88, s3;
	s6 =	simm.s32 @!p1 $0x1082;
	[sflag:s4] =	ssyncset.s32 $0xFFFFF086  }
0x25: {  	[simem:s6], [sflag:s4] =	dma.local [hbm:s3], $0xF7A  }
0x26: {  	[smem:$0x3F99] =	sst s1;
	(tag) =	ssettag s2;
	_ =	strace s9  }
0x27: {  	s1 =	sld [smem:$0x3FA9]  }
0x28: {  	s2 =	sld [smem:$0x3FAA]  }
0x29: {  	s4 =	sld [smem:$0x3FAC]  }
0x2a: {  	p0 =	seq.s32 s5, $0x0;
	s5 =	sld [smem:$0x3FAD]  }
0x2b: {  	s6 =	sld [smem:$0x3FAE]  }
0x2c: {  	s7 =	sld [smem:$0x3FAF]  }
0x2d: {  	s3 =	simm.s32 $0x108;
	s8 =	sld [smem:$0x3FB0]  }
0x2e: {  	s3 =	simm.s32 @!p0 $0x1082;
	s9 =	sld [smem:$0x3FB1]  }
0x2f: {  	lr =	sadd.s32 s0, s3;
	s0 =	sld [smem:$0x3FA8]  }
0x30: {  	s3 =	sld [smem:$0x3FAB]  }
0x31: {  	[smem:$0x3FB4] =	sst s10  }
0x32: {  	s10 =	sld [smem:$0x3FB2];
	_ =	sdelay $0x3  }
0x33: {  	p0 =	seq.s32 s10, $0x1;
	s10 =	sld [smem:$0x3FB4];
	_ =	sdelay $0x3  }
0x34: {  	[smem:$0x3FB4] =	sst s10  }
0x35: {  	s10 =	sld [smem:$0x3FB3];
	_ =	sdelay $0x3  }
0x36: {  	p1 =	seq.s32 s10, $0x1;
	s10 =	sld [smem:$0x3FB4];
	_ =	sdelay $0x3  }
0x37: {  	[smem:$0x3FB4] =	sst s10  }
0x38: {  	s10 =	sld [smem:$0x3FB5]  }
0x39: {  	_ = 	snop;
	(pc) =	sbr.ind lr, $3  }
0x3a: {  	_ = 	snop  }
0x3b: {  	_ = 	snop  }
0x3c: {  	p2 =	seq.s32 s10, $0x1;
	s10 =	sld [smem:$0x3FB4]  }
0x3d: {  	_ =	shalt  }
0x3e: {  	_ =	shalt  }
0x3f: {  	_ =	shalt  }
0x40: {  	_ =	shalt  }
0x41: {  	_ =	shalt  }
0x42: {  	_ =	shalt  }
0x43: {  	_ =	shalt  }
0x44: {  	_ =	shalt  }
0x45: {  	_ =	shalt  }
0x46: {  	_ =	shalt  }
0x47: {  	_ =	shalt  }
0x48: {  	_ =	shalt  }
0x49: {  	_ =	shalt  }
0x4a: {  	_ =	shalt  }
0x4b: {  	_ =	shalt  }
0x4c: {  	_ =	shalt  }
0x4d: {  	_ =	shalt  }
0x4e: {  	_ =	shalt  }
0x4f: {  	_ =	shalt  }
0x50: {  	_ =	shalt  }
0x51: {  	_ =	shalt  }
0x52: {  	_ =	shalt  }
0x53: {  	_ =	shalt  }
0x54: {  	_ =	shalt  }
0x55: {  	_ =	shalt  }
0x56: {  	_ =	shalt  }
0x57: {  	_ =	shalt  }
0x58: {  	_ =	shalt  }
0x59: {  	_ =	shalt  }
0x5a: {  	_ =	shalt  }
0x5b: {  	_ =	shalt  }
0x5c: {  	_ =	shalt  }
0x5d: {  	_ =	shalt  }
0x5e: {  	_ =	shalt  }
0x5f: {  	_ =	shalt  }
0x60: {  	_ =	shalt  }
0x61: {  	_ =	shalt  }
0x62: {  	_ =	shalt  }
0x63: {  	_ =	shalt  }
0x64: {  	_ =	shalt  }
0x65: {  	_ =	shalt  }
0x66: {  	_ =	shalt  }
0x67: {  	_ =	shalt  }
0x68: {  	_ =	shalt  }
0x69: {  	_ =	shalt  }
0x6a: {  	_ =	shalt  }
0x6b: {  	_ =	shalt  }
0x6c: {  	_ =	shalt  }
0x6d: {  	_ =	shalt  }
0x6e: {  	_ =	shalt  }
0x6f: {  	_ =	shalt  }
0x70: {  	_ =	shalt  }
0x71: {  	_ =	shalt  }
0x72: {  	_ =	shalt  }
0x73: {  	_ =	shalt  }
0x74: {  	_ =	shalt  }
0x75: {  	_ =	shalt  }
0x76: {  	_ =	shalt  }
0x77: {  	_ =	shalt  }
0x78: {  	_ =	shalt  }
0x79: {  	_ =	shalt  }
0x7a: {  	_ =	shalt  }
0x7b: {  	_ =	shalt  }
0x7c: {  	_ =	shalt  }
0x7d: {  	_ =	shalt  }
0x7e: {  	_ =	shalt  }
0x7f: {  	_ =	shalt  }
0x80: {  	_ =	shalt  }
0x81: {  	_ =	shalt  }
0x82: {  	_ =	shalt  }
0x83: {  	_ =	shalt  }
0x84: {  	_ =	shalt  }
0x85: {  	_ =	shalt  }
0x86: {  	_ =	shalt  }
0x87: {  	_ =	shalt  }
.Lfunc_end0:
.L_simem_size_0:
called_computation.3_lowered:
.L_overlay_start_0:
0x88: {  	s2 =	sld [smem:$0x3FD9]  }
0x89: {  	s3 =	sld [smem:$0x3FFE];
	_ =	sdelay $0x1  }
0x8a: {  	s1 =	srdreg.scid  }
0x8b: {  	s0 =	sand.u32 $0x1, s1  }
0x8c: {  	s17 =	sshll.u32 s0, $0xA;
	s2 =	sadd.s32 s3, s2  }
0x8d: {  	s2 =	sadd.s32 s2, s17  }
0x8e: {  	[smem:$0x3FC0] =	sst s2  }
0x8f: {  	_ = 	snop  }
0x90: {  	s2 =	sld [smem:$0x3FD0];
	(tm) =	ssettm $0x1  }
0x91: {  	s18 =	sld [smem:$0x3FFB];
	_ =	sdelay $0x3  }
0x92: {  	_ =	strace s18  }
0x93: {  	s3 =	sld [smem:$0x3FFC];
	_ =	sdelay $0x3  }
0x94: {  	_ =	strace s3  }
0x95: {  	s3 =	sld [smem:$0x3FFD];
	_ =	sdelay $0x3  }
0x96: {  	_ =	strace s3  }
0x97: {  	_ =	strace $0x8FFFFFFF  }
0x98: {  	s19 =	sld [smem:$0x3FDB];
	_ =	sdelay $0x1  }
0x99: {  	s4 =	simm.s32 $_scs_section_size  }
0x9a: {  	s5 =	simm.s32 $_size__tile_overlayer_lowered;
	s6 =	simm.s32 $_tile_overlayer_lowered  }
0x9b: {  	s22 =	simm.s32 $0x1BFF;
	s21 =	sshll.u32 s6, $0x1;
	s3 =	sadd.s32 s4, s19  }
0x9c: {  	s7 =	simm.s32 $0x0;
	s20 =	sshll.u32 s5, $0x1;
	s5 =	sadd.s32 s21, s3  }
0x9d: {  	[timem:s7], [sflag:s22] =	dma.local [hbm:s5], s20  }
0x9e: {  	_ =	swait.ge [sflag:s22], s20  }
0x9f: {  	s4 =	ssub.s32 $0x0, s20;
	[sflag:s22] =	ssyncset.done $0x0  }
0xa0: {  	[sflag:s22] =	ssyncadd.s32 s4;
	_ =	sdelay $0x1  }
0xa1: {  	s23 =	simm.s32 $0x1B8B  }
0xa2: {  	_ =	swait.ge [sflag:s23], $0x1  }
0xa3: {  	[sflag:s23] =	ssyncset.done $0x0  }
0xa4: {  	s25 =	simm.s32 $0x1B8E;
	s24 =	sld [smem:$0x3FFE];
	[sflag:s23] =	ssyncadd.s32 $0xFFFFFFFF  }
0xa5: {  	s26 =	simm.s32 $execute0_lowered;
	[smem:$0x3FD2] =	sst s25  }
0xa6: {  	s5 =	sshll.u32 s26, $0x1;
	_ =	strace $0x8000004F;
	[dreg:$0x1] =	wrdreg $0xFFFFFFFF  }
0xa7: {  	s28 =	simm.s32 $_size_execute0_lowered;
	s3 =	sadd.s32 s3, s5;
	[dreg:$0x0] =	wrdreg $0x0  }
0xa8: {  	s5 =	sshll.u32 s28, $0x1;
	[dreg:$0x2] =	wrdreg s3  }
0xa9: {  	[dreg:$0x3] =	wrdreg s5  }
0xaa: {  	[dreg:$0x4] =	wrdreg $0xC0  }
0xab: {  	_ =	task [dreg:s7], $0x5FFFF  }
0xac: {  	[dreg:$0x1] =	wrdreg $0xFFFFFFFF  }
0xad: {  	[dreg:$0x0] =	wrdreg $0x60  }
0xae: {  	[dreg:$0x2] =	wrdreg s24  }
0xaf: {  	[dreg:$0x3] =	wrdreg s2  }
0xb0: {  	[dreg:$0x4] =	wrdreg $0xA8000  }
0xb1: {  	[dreg:$0x5] =	wrdreg $0x9  }
0xb2: {  	_ =	task.clear_ibuf [dreg:s7], $0x6FFFF;
	_ =	strace $0x9000004F  }
0xb3: {  	s29 =	simm.s32 $0x9;
	_ =	strace $0x80000051  }
0xb4: {  	_ =	swait.ge [sflag:s29], $0x1  }
0xb5: {  	[sflag:s29] =	ssyncadd.s32 $0xFFFFFFFF  }
0xb6: {  	_ =	strace $0x90000051  }
0xb7: {  	_ =	sfence  }
0xb8: {  	s30 =	sld [smem:$0x0];
	_ =	sdelay $0x2  }
0xb9: {  	s31 =	sshll.u32 s1, $0xD;
	s1 =	sshrl.u32 s1, $0x2  }
0xba: {  	s3 =	sand.u32 $0x4000, s31;
	s1 =	sadd.s32 s1, s30  }
0xbb: {  	s0 =	sor.u32 s3, s0;
	s1 =	sshll.u32 s1, $0x11  }
0xbc: {  	s0 =	sor.u32 s1, s0  }
0xbd: {  	s0 =	sadd.s32 $0x8F2B, s0  }
0xbe: {  	[sflag:s0] =	ssyncadd.remote.s32 $0x1  }
0xbf: {  	_ =	sfence.sel $0xFFFF  }
0xc0: {  	[dreg:$0x0] =	wrdreg $0xFFFFFFFF;
	(pc) =	sbr.abs _section_cstart, $3  }
0xc1: {  	[dreg:$0x1] =	wrdreg $0xFFFFFFFF  }
0xc2: {  	_ =	task.clear_ibuf [dreg:s7], $0x2FFFF;
	_ =	strace $0x9FFFFFFF  }
0xc3: {  	(tm) =	ssettm $0x7FFFFFFF  }
tec
execute0_lowered:
.L_overlay_start_1:
0x0: {  	(tag) =	ssettag $0x1  }
0x1: {  	s5 =	rddreg [dreg:$0x0]  }
0x2: {  	s0 =	srdreg.scid;
	s7 =	rddreg [dreg:$0x1]  }
0x3: {  	s2 =	rddreg [dreg:$0x2];
	s3 =	simm.s32 $0x0;
	s15 =	simm.s32 $0x6800  }
0x4: {  	s16 =	simm.s32 $0x1;
	s11 =	sand.u32 $0x1, s0;
	s0 =	stileid.u32  }
0x5: {  	s17 =	simm.s32 $0x0;
	[smem:$0x7FF] =	sst s3;
	s6 =	smul.u32 $0x2800, s0  }
0x6: {  	s4 =	sadd.s32 $0x88800, s5;
	s1 =	sshll.u32 s11, $0x4;
	s9 =	smul.u32 $0x28000, s11  }
0x7: {  	s12 =	ssub.s32 $0x2, s11;
	s13 =	smul.u32 $0x50000, s0;
	s31 =	sshll.u32 s0, $0x6  }
0x8: {  	p0 =	sne.s32 s11, $0x0;
	s1 =	sor.u32 s0, s1;
	s29 =	sshrl.u32 s12, $0x1  }
0x9: {  	s8 =	smul.u32 $0x680, s1;
	s1 =	rddreg [dreg:$0x3];
	_ =	strace $0x80000050  }
0xa: {  	s9 =	sadd.s32 s6, s9;
	s6 =	sadd.s32 s6, s5;
	s12 =	ssub.s32 s12, s29  }
.Ltmp0:
0xb: {  	s30 =	sshrl.u32 s13, $0x2;
	s13 =	simm.s32 $0x3400;
	(pc) =	sbr.rel .LBB2_1-.Ltmp0, $4  }
0xc: {  	s9 =	sadd.s32 s9, s5;
	s14 =	sadd.s32 s30, s2;
	s10 =	sadd.s32 s8, s5  }
0xd: {  	s5 =	sadd.s32 $0x10800, s6;
	s6 =	sor.u32 $0x1C02, s31;
	s7 =	sadd.s32 s7, s8  }
0xe: {  	s9 =	sadd.s32 $0xB0800, s9;
	s11 =	sshrl.u32 s14, $0x3;
	s14 =	simm.s32 $0x80  }
0xf: {  	s8 =	sadd.s32 $0x3000, s10;
	s10 =	smax.u32 s12, $0x1;
	s12 =	simm.s32 $0x2  }
.LBB2_7:
0x10: {  	s18 =	sshra.s32 s18, $0x2;
	[sflag:s12] =	ssyncadd.s32 $0xFFFFC000  }
0x11: {  	[tilespmem:s15], [sflag:$0x1] =	stream.indirect.gather [hbm4b:s4+s14], $0x80, s18, s14, $0xb8;
	[tilespmem:$0x1E800] =	vst v63  }
0x12: {  	_ =	swait.ge [sflag:s16], $0x4000  }
0x13: {  	[sflag:s16] =	ssyncset.done $0x0  }
0x14: {  	s18 =	sadd.s32 $0x3400, s18;
	[sflag:s16] =	ssyncadd.s32 $0xFFFFC000  }
0x15: {  	[spmem:s2] =	stream.indirect.scatter.add.f32 [tilespmem:s15], [sflag:$0x2], $0x80, s18, s14, $0xb8;
	[tilespmem:$0x1E800] =	vst v63  }
0x16: {  	_ =	swait.ge [sflag:s12], $0x4000  }
0x17: {  	[sflag:s12] =	ssyncset.done $0x0  }
0x18: {  	[sflag:s12] =	ssyncadd.s32 $0xFFFFC000  }
.LBB2_8:
0x19: {  	s17 =	sadd.s32 $0x1, s17  }
0x1a: {  	p1 =	sne.s32 s17, s10  }
.Ltmp1:
0x1b: {  	[bflag:$0x0] =	sbarrier.arrive $0xFFFF;
	(pc) =	sbr.rel @!p1 .LBB2_9-.Ltmp1, $4  }
0x1c: {  	[hbm:s9], [sflag:s6] =	dma.local [spmem:s11], $0x2800  }
0x1d: {  	_ =	swait.ge [sflag:s12], $0x2800  }
0x1e: {  	[sflag:s12] =	ssyncset.done $0x0  }
0x1f: {  	[sflag:s12] =	ssyncadd.s32 $0xFFFFD800  }
.LBB2_1:
0x20: {  	[spmem:s11], [sflag:s6] =	dma.local [hbm:s5], $0x2800  }
0x21: {  	_ =	swait.ge [sflag:s12], $0x2800  }
0x22: {  	[sflag:s12] =	ssyncset.done $0x0  }
0x23: {  	[sflag:s12] =	ssyncadd.s32 $0xFFFFD800  }
0x24: {  	[tilespmem:s3], [sflag:$0x2] =	stream.linear.gather [hbm4b:s7+s3], $0x3200, $0x38;
	[tilespmem:$0x1E800] =	vst v63  }
0x25: {  	_ =	swait.ge [sflag:s12], $0x3200  }
0x26: {  	[sflag:s12] =	ssyncset.done $0x0  }
0x27: {  	[sflag:s12] =	ssyncadd.s32 $0xFFFFCE00  }
0x28: {  	[tilespmem:s13], [sflag:$0x2] =	stream.linear.gather [hbm4b:s8+s3], $0x3200, $0x38;
	[tilespmem:$0x1E800] =	vst v63  }
.Ltmp2:
0x29: {  	_ =	swait.ge [sflag:s12], $0x3200;
	(pc) =	sbr.rel @p0 .LBB2_5-.Ltmp2, $4  }
0x2a: {  	[sflag:s12] =	ssyncset.done $0x0  }
0x2b: {  	[sflag:s12] =	ssyncadd.s32 $0xFFFFCE00  }
0x2c: {  	[bflag:$0x0] =	sbarrier.arrive $0xFFFF  }
0x2d: {  	s18 =	simm.s32 $0x0  }
0x2e: {  	[tilespmem:s15], [sflag:$0x1] =	stream.indirect.gather [hbm4b:s4+s14], $0x80, s18, s14, $0xb8;
	[tilespmem:$0x1E800] =	vst v63  }
0x2f: {  	_ =	swait.ge [sflag:s16], $0x4000  }
0x30: {  	[sflag:s16] =	ssyncset.done $0x0  }
0x31: {  	s31 =	simm.s32 $0x3400;
	[sflag:s16] =	ssyncadd.s32 $0xFFFFC000  }
0x32: {  	[spmem:s2] =	stream.indirect.scatter.add.f32 [tilespmem:s15], [sflag:$0x2], $0x80, s31, s14, $0xb8;
	[tilespmem:$0x1E800] =	vst v63  }
0x33: {  	_ =	swait.ge [sflag:s12], $0x4000  }
0x34: {  	s18 =	simm.s32 $0x200;
	s19 =	simm.s32 $0x400;
	[sflag:s12] =	ssyncset.done $0x0  }
.LBB2_3:
0x35: {  	s20 =	sshra.s32 s18, $0x2  }
0x36: {  	[sflag:s12] =	ssyncadd.s32 $0xFFFFC000;
	s18 =	smov.u32 s19;
	s21 =	sadd.s32 $0x200, s19  }
0x37: {  	[tilespmem:s15], [sflag:$0x1] =	stream.indirect.gather [hbm4b:s4+s14], $0x80, s20, s14, $0xb8;
	[tilespmem:$0x1E800] =	vst v63  }
0x38: {  	p1 =	seq.s32 s19, $0xC600;
	_ =	swait.ge [sflag:s16], $0x4000  }
.Ltmp3:
0x39: {  	[sflag:s16] =	ssyncset.done $0x0;
	(pc) =	sbr.rel @!p1 .LBB2_3-.Ltmp3, $4  }
0x3a: {  	s19 =	sadd.s32 $0x3400, s20;
	[sflag:s16] =	ssyncadd.s32 $0xFFFFC000  }
0x3b: {  	[spmem:s2] =	stream.indirect.scatter.add.f32 [tilespmem:s15], [sflag:$0x2], $0x80, s19, s14, $0xb8;
	[tilespmem:$0x1E800] =	vst v63  }
0x3c: {  	_ =	swait.ge [sflag:s12], $0x4000  }
0x3d: {  	s19 =	smov.u32 s21;
	[sflag:s12] =	ssyncset.done $0x0  }
0x3e: {  	s18 =	sshra.s32 s18, $0x2;
	[sflag:s12] =	ssyncadd.s32 $0xFFFFC000  }
0x3f: {  	[tilespmem:s15], [sflag:$0x1] =	stream.indirect.gather [hbm4b:s4+s14], $0x80, s18, s14, $0xb8;
	[tilespmem:$0x1E800] =	vst v63  }
0x40: {  	_ =	swait.ge [sflag:s16], $0x4000  }
0x41: {  	[sflag:s16] =	ssyncset.done $0x0  }
.Ltmp4:
0x42: {  	s18 =	sadd.s32 $0x3400, s18;
	[sflag:s16] =	ssyncadd.s32 $0xFFFFC000;
	(pc) =	sbr.rel .LBB2_8-.Ltmp4, $4  }
0x43: {  	[spmem:s2] =	stream.indirect.scatter.add.f32 [tilespmem:s15], [sflag:$0x2], $0x80, s18, s14, $0xb8;
	[tilespmem:$0x1E800] =	vst v63  }
0x44: {  	_ =	swait.ge [sflag:s12], $0x4000  }
0x45: {  	[sflag:s12] =	ssyncset.done $0x0  }
0x46: {  	[sflag:s12] =	ssyncadd.s32 $0xFFFFC000  }
.LBB2_5:
0x47: {  	[tilespmem:s15], [sflag:$0x1] =	stream.indirect.gather [hbm4b:s4+s14], $0x80, s18, s14, $0xb8;
	[tilespmem:$0x1E800] =	vst v63  }
0x48: {  	_ =	swait.ge [sflag:s16], $0x4000  }
0x49: {  	[sflag:s16] =	ssyncset.done $0x0  }
0x4a: {  	s31 =	simm.s32 $0x3400;
	[sflag:s16] =	ssyncadd.s32 $0xFFFFC000  }
0x4b: {  	[spmem:s2] =	stream.indirect.scatter.add.f32 [tilespmem:s15], [sflag:$0x2], $0x80, s31, s14, $0xb8;
	[tilespmem:$0x1E800] =	vst v63  }
0x4c: {  	_ =	swait.ge [sflag:s12], $0x4000  }
0x4d: {  	s18 =	simm.s32 $0x200;
	s19 =	simm.s32 $0x400;
	[sflag:s12] =	ssyncset.done $0x0  }
.LBB2_6:
0x4e: {  	s20 =	sshra.s32 s18, $0x2  }
0x4f: {  	[sflag:s12] =	ssyncadd.s32 $0xFFFFC000;
	s18 =	smov.u32 s19;
	s21 =	sadd.s32 $0x200, s19  }
0x50: {  	[tilespmem:s15], [sflag:$0x1] =	stream.indirect.gather [hbm4b:s4+s14], $0x80, s20, s14, $0xb8;
	[tilespmem:$0x1E800] =	vst v63  }
0x51: {  	p1 =	sne.s32 s19, $0x7000;
	_ =	swait.ge [sflag:s16], $0x4000  }
.Ltmp5:
0x52: {  	[sflag:s16] =	ssyncset.done $0x0;
	(pc) =	sbr.rel @p1 .LBB2_6-.Ltmp5, $4  }
0x53: {  	s19 =	sadd.s32 $0x3400, s20;
	[sflag:s16] =	ssyncadd.s32 $0xFFFFC000  }
0x54: {  	[spmem:s2] =	stream.indirect.scatter.add.f32 [tilespmem:s15], [sflag:$0x2], $0x80, s19, s14, $0xb8;
	[tilespmem:$0x1E800] =	vst v63  }
0x55: {  	_ =	swait.ge [sflag:s12], $0x4000  }
0x56: {  	s19 =	smov.u32 s21;
	[sflag:s12] =	ssyncset.done $0x0  }
.Ltmp6:
0x57: {  	_ = 	snop;
	(pc) =	sbr.rel .LBB2_7-.Ltmp6, $1  }
0x58: {  	_ =	sdelay $0x3  }
.LBB2_9:
0x59: {  	_ =	sfence.sel $0x180000  }
0x5a: {  	[bflag:$0x0] =	sbarrier.arrive $0xFFFF  }
0x5b: {  	p0 =	sne.s32 s0, $0x0;
	_ =	strace $0x90000050  }
0x5c: {  	s0 =	sadd.s32 @!p0 $0x100000, s1;
	[bflag:$0x2] =	sbarrier.arrive $0xFFFF  }
0x5d: {  	[sflag:s0] =	ssyncadd.tile.s32 @!p0 $0x1;
	_ =	shalt  }
.Lfunc_end2:
_tile_overlayer_lowered:
.L_overlay_start_2:
0x5e: {  	(tag) =	ssettag $0x2  }
0x5f: {  	s0 =	rddreg [dreg:$0x0];
	s2 =	stileid.u32  }
0x60: {  	s1 =	rddreg [dreg:$0x1];
	p0 =	sne.s32 s2, $0x0  }
0x61: {  	s3 =	rddreg [dreg:$0x2];
	[bflag:$0x3] =	sbarrier.arrive $0xFFFF;
	s2 =	simm.s32 @!p0 $0x1C02  }
0x62: {  	[timem:s3], [sflag:s2] =	dma.local @!p0 [hbm:s0], s1  }
0x63: {  	s0 =	simm.s32 @!p0 $0x2  }
0x64: {  	_ =	swait.ge @!p0 [sflag:s0], s1  }
0x65: {  	s1 =	ssub.s32 @!p0 $0x0, s1;
	[sflag:s0] =	ssyncset.done @!p0 $0x0  }
0x66: {  	[sflag:s0] =	ssyncadd.s32 @!p0 s1  }
0x67: {  	[bflag:$0x3] =	sbarrier.arrive $0xFFFF  }
0x68: {  	_ =	shalt  }

</sc_bundles>
